<compile_context>
chip_gen: v7x
topology: tpu7x:2x2x1
jax: 0.10.2.dev20260603
libtpu: 0.0.44.dev20260713+nightly
codegen_flags: <defaults>
</compile_context>

<pallas_src>
import functools

import jax
import jax.numpy as jnp
from jax import lax
from jax.experimental import pallas as pl
from jax.experimental.pallas import tpu as pltpu
from jax.experimental.pallas import tpu_sc as plsc

NUM_PARTS = 100
KP1 = 10000
OUT_DIMS = 64
BATCH = 16384
VOCAB = NUM_PARTS * KP1
TOKENS = BATCH * NUM_PARTS

NUM_CORES = 2
NUM_SUBCORES = 16
NUM_WORKERS = NUM_CORES * NUM_SUBCORES
TB = 128
TB_PER_W = BATCH // NUM_WORKERS // TB
OUT_ROWS = NUM_PARTS * 8 * (BATCH // TB)
OUT_COLS = 8 * TB


def _idx_body(h_ref, o_ref):
    part = lax.broadcasted_iota(jnp.int32, o_ref.shape, 1)
    e = part & 1
    o_ref[...] = (part - e) * KP1 + 2 * h_ref[...] + e


def _table_body(emb_ref, pe_ref, wt_ref, b_ref, o_ref):
    q = pl.program_id(0)
    xa = emb_ref[pl.ds(0, KP1), :] + pe_ref[pl.ds(2 * q, 1), :]
    xb = emb_ref[pl.ds(KP1, KP1), :] + pe_ref[pl.ds(2 * q + 1, 1), :]
    ya = jnp.dot(xa, wt_ref[...], preferred_element_type=jnp.float32) + b_ref[...]
    yb = jnp.dot(xb, wt_ref[...], preferred_element_type=jnp.float32) + b_ref[...]
    o_ref[...] = jnp.concatenate([ya, yb], axis=1)


def _gather_body(table_hbm, idx_hbm, out_hbm,
                 idxblk, col0, col1, rows0, rows1, tbuf0, tbuf1,
                 gsem0, gsem1, ssem0, ssem1):
    cols = (col0, col1)
    rows = (rows0, rows1)
    tbufs = (tbuf0, tbuf1)
    gsem = (gsem0, gsem1)
    ssem = (ssem0, ssem1)
    wid = lax.axis_index("s") * NUM_CORES + lax.axis_index("c")
    iota = lax.iota(jnp.int32, 16)
    i100 = iota * NUM_PARTS

    def extract(p, slot):
        for g in range(8):
            v = plsc.load_gather(idxblk, [i100 + (g * 16 * NUM_PARTS + p)])
            cols[slot][pl.ds(g * 16, 16)] = v

    def fire_gather(slot):
        pltpu.async_copy(table_hbm.at[cols[slot]], rows[slot], gsem[slot])

    def wait_gather(slot):
        pltpu.make_async_copy(
            table_hbm.at[pl.ds(0, TB)], rows[slot], gsem[slot]).wait()

    def transpose(slot):
        r = rows[slot]
        t = tbufs[slot]
        for d0 in range(0, OUT_DIMS, 16):
            dvec = d0 + iota

            @plsc.parallel_loop(0, TB, unroll=8)
            def _(tt):
                v = r[tt, pl.ds(d0, 16)]
                plsc.store_scatter(
                    t, [dvec, jnp.full((16,), tt, jnp.int32)], v)

    def fire_stores(p, it, slot):
        for dt in range(8):
            pltpu.async_copy(
                tbufs[slot].at[pl.ds(dt * 8, 8), pl.ds(0, TB)],
                out_hbm.at[pl.ds(p * 8192 + dt * 1024 + it * 8, 8), :],
                ssem[slot])

    def wait_stores(slot):
        pltpu.make_async_copy(
            tbufs[slot].at[:, pl.ds(0, TB)],
            out_hbm.at[pl.ds(0, OUT_DIMS), :], ssem[slot]).wait()

    def block_body(itl, carry):
        it = wid * TB_PER_W + itl
        tok0 = it * TB
        pltpu.sync_copy(idx_hbm.at[pl.ds(tok0 * NUM_PARTS, TB * NUM_PARTS)], idxblk)
        extract(0, 0)
        fire_gather(0)

        def body(pb, carry2):
            for b in (0, 1):
                p = pb * 2 + b
                cur, nxt = b, 1 - b

                @pl.when(p + 1 < NUM_PARTS)
                def _():
                    extract(p + 1, nxt)
                    fire_gather(nxt)

                wait_gather(cur)

                @pl.when(p >= 2)
                def _():
                    wait_stores(cur)

                transpose(cur)
                fire_stores(p, it, cur)
            return carry2

        lax.fori_loop(0, NUM_PARTS // 2, body, 0)
        wait_stores(0)
        wait_stores(1)
        return carry

    lax.fori_loop(0, TB_PER_W, block_body, 0)


def kernel(hashes, emb_table, pe, W, b):
    idx = pl.pallas_call(
        _idx_body,
        out_shape=jax.ShapeDtypeStruct((BATCH, NUM_PARTS), jnp.int32),
    )(hashes.astype(jnp.int32))

    tableW = pl.pallas_call(
        _table_body,
        grid=(NUM_PARTS // 2,),
        in_specs=[
            pl.BlockSpec((2 * KP1, OUT_DIMS), lambda q: (q, 0)),
            pl.BlockSpec((NUM_PARTS, OUT_DIMS), lambda q: (0, 0)),
            pl.BlockSpec((OUT_DIMS, OUT_DIMS), lambda q: (0, 0)),
            pl.BlockSpec((1, OUT_DIMS), lambda q: (0, 0)),
        ],
        out_specs=pl.BlockSpec((KP1, 2 * OUT_DIMS), lambda q: (q, 0)),
        out_shape=jax.ShapeDtypeStruct((VOCAB // 2, 2 * OUT_DIMS), jnp.float32),
    )(emb_table, pe, W.T, b.reshape(1, OUT_DIMS))
    table2 = tableW.reshape(VOCAB, OUT_DIMS)

    mesh = plsc.VectorSubcoreMesh(core_axis_name="c", subcore_axis_name="s")
    gather = functools.partial(
        pl.kernel,
        mesh=mesh,
        out_type=jax.ShapeDtypeStruct((OUT_ROWS * 8, TB), jnp.float32),
        scratch_types=[
            pltpu.VMEM((TB * NUM_PARTS,), jnp.int32),
            pltpu.VMEM((TB,), jnp.int32),
            pltpu.VMEM((TB,), jnp.int32),
            pltpu.VMEM((TB, OUT_DIMS), jnp.float32),
            pltpu.VMEM((TB, OUT_DIMS), jnp.float32),
            pltpu.VMEM((OUT_DIMS, TB + 1), jnp.float32),
            pltpu.VMEM((OUT_DIMS, TB + 1), jnp.float32),
            pltpu.SemaphoreType.DMA,
            pltpu.SemaphoreType.DMA,
            pltpu.SemaphoreType.DMA,
            pltpu.SemaphoreType.DMA,
        ],
        compiler_params=pltpu.CompilerParams(
            use_tc_tiling_on_sc=False, needs_layout_passes=False),
    )(_gather_body)
    out_t = gather(table2, idx.reshape(TOKENS))

    o5 = out_t.reshape(NUM_PARTS, 8, BATCH // TB, 8, TB)
    return jnp.transpose(o5, (2, 4, 0, 1, 3)).reshape(BATCH, NUM_PARTS, OUT_DIMS)

# --- scband reference (transcript-rebuilt; emitter-appended) ---
"""Pipeline reference for scband-part-craft-token-mapper-59940563583541 (READ-ONLY COPY).

The authoritative reference and input builder live on the scoring server;
editing this copy changes nothing except your own understanding.
"""

import jax, jax.numpy as jnp
import numpy as np

NUM_PARTS = 100
NUM_K_PER_PART = 9999
OUT_DIMS = 64
BATCH = 16384
VOCAB = (NUM_K_PER_PART + 1) * NUM_PARTS


def setup_inputs(seed: int = 0) -> dict:
    key = jax.random.key(seed)
    k_hash, k_emb, k_pe, k_w, k_b = jax.random.split(key, 5)
    hashes = jax.random.randint(k_hash, (BATCH, NUM_PARTS), 0, NUM_K_PER_PART + 1, dtype=jnp.int64 if jax.config.jax_enable_x64 else jnp.int32)
    emb_table = jax.random.normal(k_emb, (VOCAB, OUT_DIMS), dtype=jnp.float32) * 0.02
    pe = jax.random.normal(k_pe, (NUM_PARTS, OUT_DIMS), dtype=jnp.float32)
    # nn.Linear(out_dims, out_dims): weight [out, in], bias [out]
    bound = 1.0 / np.sqrt(OUT_DIMS)
    W = jax.random.uniform(k_w, (OUT_DIMS, OUT_DIMS), dtype=jnp.float32, minval=-bound, maxval=bound)
    b = jax.random.uniform(k_b, (OUT_DIMS,), dtype=jnp.float32, minval=-bound, maxval=bound)
    return {"hashes": hashes, "emb_table": emb_table, "pe": pe, "W": W, "b": b}


def reference(hashes, emb_table, pe, W, b):
    # forward with index=None, input_is_mu=False
    offset = jnp.arange(NUM_PARTS, dtype=hashes.dtype) * (NUM_K_PER_PART + 1)
    idx = hashes + offset.reshape(1, -1)          # [B, num_parts]
    h = jnp.take(emb_table, idx, axis=0)          # [B, num_parts, out_dims] (embedding gather)
    h = h + pe[None, :, :]                        # broadcast positional embedding
    projected = h @ W.T + b                       # single Linear projection
    return projected


if False:  # reference __main__ guard neutralized (emitter)
    out = reference(**setup_inputs())
    print(out.shape, out.dtype)

if __name__ == "__main__":
    import jax
    _d = setup_inputs()
    print(jax.jit(kernel)(*tuple(_d.values())))

</pallas_src>

<mosaic_0001>
#map = affine_map<(d0, d1) -> (0, 0)>
#map1 = affine_map<(d0, d1) -> (0)>
module attributes {stable_mosaic.version = 14 : i64} {
  func.func @_gather_body(%arg0: i32, %arg1: i32, %arg2: memref<1000000x64xf32, #tpu.memory_space<hbm>>, %arg3: memref<1638400xi32, #tpu.memory_space<hbm>>, %arg4: memref<819200x128xf32, #tpu.memory_space<hbm>>, %arg5: memref<12800xi32, #tpu.memory_space<vmem>>, %arg6: memref<128xi32, #tpu.memory_space<vmem>>, %arg7: memref<128xi32, #tpu.memory_space<vmem>>, %arg8: memref<128x64xf32, #tpu.memory_space<vmem>>, %arg9: memref<128x64xf32, #tpu.memory_space<vmem>>, %arg10: memref<64x129xf32, #tpu.memory_space<vmem>>, %arg11: memref<64x129xf32, #tpu.memory_space<vmem>>, %arg12: memref<!tpu.dma_semaphore, #tpu.memory_space<semaphore_mem>>, %arg13: memref<!tpu.dma_semaphore, #tpu.memory_space<semaphore_mem>>, %arg14: memref<!tpu.dma_semaphore, #tpu.memory_space<semaphore_mem>>, %arg15: memref<!tpu.dma_semaphore, #tpu.memory_space<semaphore_mem>>) attributes {dimension_semantics = [#tpu.dimension_semantics<core_parallel>, #tpu.dimension_semantics<subcore_parallel>], iteration_bounds = array<i64: 2, 16>, scalar_prefetch = 0 : i64, scratch_operands = 11 : i64, tpu.core_type = #tpu.core_type<sc_vector_subcore>, window_params = [{transform_indices = #map}, {transform_indices = #map1}, {transform_indices = #map}]} {
    %mul3A = arith.constant 2 : i32
    %mul3A_0 = arith.muli %arg1, %mul3A : i32
    %add3A = arith.addi %mul3A_0, %arg0 : i32
    %iota3A = tpu.iota {dimensions = array<i32: 0>} : vector<16xi32>
    %mul3A_1 = arith.constant 100 : i32
    %mul3A_2 = vector.broadcast %mul3A_1 : i32 to vector<16xi32>
    %mul3A_3 = arith.muli %iota3A, %mul3A_2 : vector<16xi32>
    %scan3A = arith.constant 0 : i32
    %scan3A_4 = arith.constant 0 : i32
    %scan3A_5 = arith.constant 4 : i32
    %scan3A_6 = arith.addi %scan3A_4, %scan3A_5 : i32
    %scan3A_7 = arith.constant 1 : i32
    scf.for %scan3A_9 = %scan3A_4 to %scan3A_6 step %scan3A_7  : i32 {
      %mul3A_10 = arith.constant 4 : i32
      %mul3A_11 = arith.muli %add3A, %mul3A_10 : i32
      %add3A_12 = arith.addi %mul3A_11, %scan3A_9 : i32
      %mul3A_13 = arith.constant 128 : i32
      %mul3A_14 = arith.muli %add3A_12, %mul3A_13 : i32
      %mul3A_15 = arith.constant 100 : i32
      %mul3A_16 = arith.muli %mul3A_14, %mul3A_15 : i32
      "tpu.region"() ({
        %run_scoped3A = tpu.sem_alloc : memref<!tpu.dma_semaphore, #tpu.memory_space<semaphore_mem>>
        %dma_start3A_94 = tpu.memref_slice %arg3[%mul3A_16] : memref<1638400xi32, #tpu.memory_space<hbm>> -> memref<12800xi32, #tpu.memory_space<hbm>>
        %dma_start3A_95 = tpu.memref_slice %arg3[%mul3A_16] : memref<1638400xi32, #tpu.memory_space<hbm>> -> memref<12800xi32, #tpu.memory_space<hbm>>
        tpu.enqueue_dma source(%dma_start3A_95 : memref<12800xi32, #tpu.memory_space<hbm>>) target(%arg5 : memref<12800xi32, #tpu.memory_space<vmem>>) target_semaphore(%run_scoped3A : memref<!tpu.dma_semaphore, #tpu.memory_space<semaphore_mem>>)
        %dma_wait3A_96 = tpu.memref_slice %arg3[%mul3A_16] : memref<1638400xi32, #tpu.memory_space<hbm>> -> memref<12800xi32, #tpu.memory_space<hbm>>
        %dma_wait3A_97 = tpu.memref_slice %arg3[%mul3A_16] : memref<1638400xi32, #tpu.memory_space<hbm>> -> memref<12800xi32, #tpu.memory_space<hbm>>
        tpu.wait_dma2 semaphore(%run_scoped3A : memref<!tpu.dma_semaphore, #tpu.memory_space<semaphore_mem>>) src(%dma_wait3A_97 : memref<12800xi32, #tpu.memory_space<hbm>>) dst(%arg5 : memref<12800xi32, #tpu.memory_space<vmem>>)
        tpu.yield
      }) : () -> ()
      %add3A_17 = arith.constant 0 : i32
      %add3A_18 = vector.broadcast %add3A_17 : i32 to vector<16xi32>
      %add3A_19 = arith.addi %mul3A_3, %add3A_18 : vector<16xi32>
      %gather3A = tpu.vector_load_idx %arg5[%add3A_19] : memref<12800xi32, #tpu.memory_space<vmem>>[vector<16xi32>], vector<16xi32>,
      %swap3A = arith.constant 0 : index
      %swap3A_20 = tpu.vector_load %arg6[%swap3A] {strides = array<i32>} : memref<128xi32, #tpu.memory_space<vmem>>, vector<16xi32>,
      tpu.vector_store %arg6[%swap3A], %gather3A {strides = array<i32>} : memref<128xi32, #tpu.memory_space<vmem>>, vector<16xi32>,
      %add3A_21 = arith.constant 1600 : i32
      %add3A_22 = vector.broadcast %add3A_21 : i32 to vector<16xi32>
      %add3A_23 = arith.addi %mul3A_3, %add3A_22 : vector<16xi32>
      %gather3A_24 = tpu.vector_load_idx %arg5[%add3A_23] : memref<12800xi32, #tpu.memory_space<vmem>>[vector<16xi32>], vector<16xi32>,
      %swap3A_25 = arith.constant 16 : index
      %swap3A_26 = tpu.vector_load %arg6[%swap3A_25] {strides = array<i32>} : memref<128xi32, #tpu.memory_space<vmem>>, vector<16xi32>,
      tpu.vector_store %arg6[%swap3A_25], %gather3A_24 {strides = array<i32>} : memref<128xi32, #tpu.memory_space<vmem>>, vector<16xi32>,
      %add3A_27 = arith.constant 3200 : i32
      %add3A_28 = vector.broadcast %add3A_27 : i32 to vector<16xi32>
      %add3A_29 = arith.addi %mul3A_3, %add3A_28 : vector<16xi32>
      %gather3A_30 = tpu.vector_load_idx %arg5[%add3A_29] : memref<12800xi32, #tpu.memory_space<vmem>>[vector<16xi32>], vector<16xi32>,
      %swap3A_31 = arith.constant 32 : index
      %swap3A_32 = tpu.vector_load %arg6[%swap3A_31] {strides = array<i32>} : memref<128xi32, #tpu.memory_space<vmem>>, vector<16xi32>,
      tpu.vector_store %arg6[%swap3A_31], %gather3A_30 {strides = array<i32>} : memref<128xi32, #tpu.memory_space<vmem>>, vector<16xi32>,
      %add3A_33 = arith.constant 4800 : i32
      %add3A_34 = vector.broadcast %add3A_33 : i32 to vector<16xi32>
      %add3A_35 = arith.addi %mul3A_3, %add3A_34 : vector<16xi32>
      %gather3A_36 = tpu.vector_load_idx %arg5[%add3A_35] : memref<12800xi32, #tpu.memory_space<vmem>>[vector<16xi32>], vector<16xi32>,
      %swap3A_37 = arith.constant 48 : index
      %swap3A_38 = tpu.vector_load %arg6[%swap3A_37] {strides = array<i32>} : memref<128xi32, #tpu.memory_space<vmem>>, vector<16xi32>,
      tpu.vector_store %arg6[%swap3A_37], %gather3A_36 {strides = array<i32>} : memref<128xi32, #tpu.memory_space<vmem>>, vector<16xi32>,
      %add3A_39 = arith.constant 6400 : i32
      %add3A_40 = vector.broadcast %add3A_39 : i32 to vector<16xi32>
      %add3A_41 = arith.addi %mul3A_3, %add3A_40 : vector<16xi32>
      %gather3A_42 = tpu.vector_load_idx %arg5[%add3A_41] : memref<12800xi32, #tpu.memory_space<vmem>>[vector<16xi32>], vector<16xi32>,
      %swap3A_43 = arith.constant 64 : index
      %swap3A_44 = tpu.vector_load %arg6[%swap3A_43] {strides = array<i32>} : memref<128xi32, #tpu.memory_space<vmem>>, vector<16xi32>,
      tpu.vector_store %arg6[%swap3A_43], %gather3A_42 {strides = array<i32>} : memref<128xi32, #tpu.memory_space<vmem>>, vector<16xi32>,
      %add3A_45 = arith.constant 8000 : i32
      %add3A_46 = vector.broadcast %add3A_45 : i32 to vector<16xi32>
      %add3A_47 = arith.addi %mul3A_3, %add3A_46 : vector<16xi32>
      %gather3A_48 = tpu.vector_load_idx %arg5[%add3A_47] : memref<12800xi32, #tpu.memory_space<vmem>>[vector<16xi32>], vector<16xi32>,
      %swap3A_49 = arith.constant 80 : index
      %swap3A_50 = tpu.vector_load %arg6[%swap3A_49] {strides = array<i32>} : memref<128xi32, #tpu.memory_space<vmem>>, vector<16xi32>,
      tpu.vector_store %arg6[%swap3A_49], %gather3A_48 {strides = array<i32>} : memref<128xi32, #tpu.memory_space<vmem>>, vector<16xi32>,
      %add3A_51 = arith.constant 9600 : i32
      %add3A_52 = vector.broadcast %add3A_51 : i32 to vector<16xi32>
      %add3A_53 = arith.addi %mul3A_3, %add3A_52 : vector<16xi32>
      %gather3A_54 = tpu.vector_load_idx %arg5[%add3A_53] : memref<12800xi32, #tpu.memory_space<vmem>>[vector<16xi32>], vector<16xi32>,
      %swap3A_55 = arith.constant 96 : index
      %swap3A_56 = tpu.vector_load %arg6[%swap3A_55] {strides = array<i32>} : memref<128xi32, #tpu.memory_space<vmem>>, vector<16xi32>,
      tpu.vector_store %arg6[%swap3A_55], %gather3A_54 {strides = array<i32>} : memref<128xi32, #tpu.memory_space<vmem>>, vector<16xi32>,
      %add3A_57 = arith.constant 11200 : i32
      %add3A_58 = vector.broadcast %add3A_57 : i32 to vector<16xi32>
      %add3A_59 = arith.addi %mul3A_3, %add3A_58 : vector<16xi32>
      %gather3A_60 = tpu.vector_load_idx %arg5[%add3A_59] : memref<12800xi32, #tpu.memory_space<vmem>>[vector<16xi32>], vector<16xi32>,
      %swap3A_61 = arith.constant 112 : index
      %swap3A_62 = tpu.vector_load %arg6[%swap3A_61] {strides = array<i32>} : memref<128xi32, #tpu.memory_space<vmem>>, vector<16xi32>,
      tpu.vector_store %arg6[%swap3A_61], %gather3A_60 {strides = array<i32>} : memref<128xi32, #tpu.memory_space<vmem>>, vector<16xi32>,
      %dma_start3A = arith.constant 0 : i32
      %dma_start3A_63 = arith.constant 0 : i32
      %dma_start3A_64 = tpu.memref_slice %arg2[%dma_start3A, %dma_start3A_63] : memref<1000000x64xf32, #tpu.memory_space<hbm>> -> memref<1000000x64xf32, #tpu.memory_space<hbm>>
      tpu.enqueue_indirect_dma source(%dma_start3A_64 : memref<1000000x64xf32, #tpu.memory_space<hbm>>) target(%arg8 : memref<128x64xf32, #tpu.memory_space<vmem>>) offsets(%arg6 : memref<128xi32, #tpu.memory_space<vmem>>) semaphore(%arg12 : memref<!tpu.dma_semaphore, #tpu.memory_space<semaphore_mem>>)
      %scan3A_65 = arith.constant 0 : i32
      %scan3A_66 = arith.constant 0 : i32
      %scan3A_67 = arith.constant 50 : i32
      %scan3A_68 = arith.addi %scan3A_66, %scan3A_67 : i32
      %scan3A_69 = arith.constant 1 : i32
      scf.for %scan3A_94 = %scan3A_66 to %scan3A_68 step %scan3A_69  : i32 {
        %mul3A_95 = arith.constant 2 : i32
        %mul3A_96 = arith.muli %scan3A_94, %mul3A_95 : i32
        %add3A_97 = arith.constant 0 : i32
        %add3A_98 = arith.addi %mul3A_96, %add3A_97 : i32
        %add3A_99 = arith.constant 1 : i32
        %add3A_100 = arith.addi %add3A_98, %add3A_99 : i32
        %lt3A = arith.constant 100 : i32
        %lt3A_101 = arith.cmpi slt, %add3A_100, %lt3A : i32
        %convert_element_type3A = arith.extui %lt3A_101 : i1 to i32
        %cond3A = arith.constant 0 : i32
        %cond3A_102 = arith.cmpi ne, %convert_element_type3A, %cond3A : i32
        scf.if %cond3A_102 {
          %add3A_454 = arith.constant 1 : i32
          %add3A_455 = arith.addi %add3A_98, %add3A_454 : i32
          %add3A_456 = arith.constant 0 : i32
          %add3A_457 = arith.addi %add3A_456, %add3A_455 : i32
          %add3A_458 = vector.broadcast %add3A_457 : i32 to vector<16xi32>
          %add3A_459 = arith.addi %mul3A_3, %add3A_458 : vector<16xi32>
          %gather3A_460 = tpu.vector_load_idx %arg5[%add3A_459] : memref<12800xi32, #tpu.memory_space<vmem>>[vector<16xi32>], vector<16xi32>,
          %swap3A_461 = arith.constant 0 : index
          %swap3A_462 = tpu.vector_load %arg7[%swap3A_461] {strides = array<i32>} : memref<128xi32, #tpu.memory_space<vmem>>, vector<16xi32>,
          tpu.vector_store %arg7[%swap3A_461], %gather3A_460 {strides = array<i32>} : memref<128xi32, #tpu.memory_space<vmem>>, vector<16xi32>,
          %add3A_463 = arith.constant 1600 : i32
          %add3A_464 = arith.addi %add3A_463, %add3A_455 : i32
          %add3A_465 = vector.broadcast %add3A_464 : i32 to vector<16xi32>
          %add3A_466 = arith.addi %mul3A_3, %add3A_465 : vector<16xi32>
          %gather3A_467 = tpu.vector_load_idx %arg5[%add3A_466] : memref<12800xi32, #tpu.memory_space<vmem>>[vector<16xi32>], vector<16xi32>,
          %swap3A_468 = arith.constant 16 : index
          %swap3A_469 = tpu.vector_load %arg7[%swap3A_468] {strides = array<i32>} : memref<128xi32, #tpu.memory_space<vmem>>, vector<16xi32>,
          tpu.vector_store %arg7[%swap3A_468], %gather3A_467 {strides = array<i32>} : memref<128xi32, #tpu.memory_space<vmem>>, vector<16xi32>,
          %add3A_470 = arith.constant 3200 : i32
          %add3A_471 = arith.addi %add3A_470, %add3A_455 : i32
          %add3A_472 = vector.broadcast %add3A_471 : i32 to vector<16xi32>
          %add3A_473 = arith.addi %mul3A_3, %add3A_472 : vector<16xi32>
          %gather3A_474 = tpu.vector_load_idx %arg5[%add3A_473] : memref<12800xi32, #tpu.memory_space<vmem>>[vector<16xi32>], vector<16xi32>,
          %swap3A_475 = arith.constant 32 : index
          %swap3A_476 = tpu.vector_load %arg7[%swap3A_475] {strides = array<i32>} : memref<128xi32, #tpu.memory_space<vmem>>, vector<16xi32>,
          tpu.vector_store %arg7[%swap3A_475], %gather3A_474 {strides = array<i32>} : memref<128xi32, #tpu.memory_space<vmem>>, vector<16xi32>,
          %add3A_477 = arith.constant 4800 : i32
          %add3A_478 = arith.addi %add3A_477, %add3A_455 : i32
          %add3A_479 = vector.broadcast %add3A_478 : i32 to vector<16xi32>
          %add3A_480 = arith.addi %mul3A_3, %add3A_479 : vector<16xi32>
          %gather3A_481 = tpu.vector_load_idx %arg5[%add3A_480] : memref<12800xi32, #tpu.memory_space<vmem>>[vector<16xi32>], vector<16xi32>,
          %swap3A_482 = arith.constant 48 : index
          %swap3A_483 = tpu.vector_load %arg7[%swap3A_482] {strides = array<i32>} : memref<128xi32, #tpu.memory_space<vmem>>, vector<16xi32>,
          tpu.vector_store %arg7[%swap3A_482], %gather3A_481 {strides = array<i32>} : memref<128xi32, #tpu.memory_space<vmem>>, vector<16xi32>,
          %add3A_484 = arith.constant 6400 : i32
          %add3A_485 = arith.addi %add3A_484, %add3A_455 : i32
          %add3A_486 = vector.broadcast %add3A_485 : i32 to vector<16xi32>
          %add3A_487 = arith.addi %mul3A_3, %add3A_486 : vector<16xi32>
          %gather3A_488 = tpu.vector_load_idx %arg5[%add3A_487] : memref<12800xi32, #tpu.memory_space<vmem>>[vector<16xi32>], vector<16xi32>,
          %swap3A_489 = arith.constant 64 : index
          %swap3A_490 = tpu.vector_load %arg7[%swap3A_489] {strides = array<i32>} : memref<128xi32, #tpu.memory_space<vmem>>, vector<16xi32>,
          tpu.vector_store %arg7[%swap3A_489], %gather3A_488 {strides = array<i32>} : memref<128xi32, #tpu.memory_space<vmem>>, vector<16xi32>,
          %add3A_491 = arith.constant 8000 : i32
          %add3A_492 = arith.addi %add3A_491, %add3A_455 : i32
          %add3A_493 = vector.broadcast %add3A_492 : i32 to vector<16xi32>
          %add3A_494 = arith.addi %mul3A_3, %add3A_493 : vector<16xi32>
          %gather3A_495 = tpu.vector_load_idx %arg5[%add3A_494] : memref<12800xi32, #tpu.memory_space<vmem>>[vector<16xi32>], vector<16xi32>,
          %swap3A_496 = arith.constant 80 : index
          %swap3A_497 = tpu.vector_load %arg7[%swap3A_496] {strides = array<i32>} : memref<128xi32, #tpu.memory_space<vmem>>, vector<16xi32>,
          tpu.vector_store %arg7[%swap3A_496], %gather3A_495 {strides = array<i32>} : memref<128xi32, #tpu.memory_space<vmem>>, vector<16xi32>,
          %add3A_498 = arith.constant 9600 : i32
          %add3A_499 = arith.addi %add3A_498, %add3A_455 : i32
          %add3A_500 = vector.broadcast %add3A_499 : i32 to vector<16xi32>
          %add3A_501 = arith.addi %mul3A_3, %add3A_500 : vector<16xi32>
          %gather3A_502 = tpu.vector_load_idx %arg5[%add3A_501] : memref<12800xi32, #tpu.memory_space<vmem>>[vector<16xi32>], vector<16xi32>,
          %swap3A_503 = arith.constant 96 : index
          %swap3A_504 = tpu.vector_load %arg7[%swap3A_503] {strides = array<i32>} : memref<128xi32, #tpu.memory_space<vmem>>, vector<16xi32>,
          tpu.vector_store %arg7[%swap3A_503], %gather3A_502 {strides = array<i32>} : memref<128xi32, #tpu.memory_space<vmem>>, vector<16xi32>,
          %add3A_505 = arith.constant 11200 : i32
          %add3A_506 = arith.addi %add3A_505, %add3A_455 : i32
          %add3A_507 = vector.broadcast %add3A_506 : i32 to vector<16xi32>
          %add3A_508 = arith.addi %mul3A_3, %add3A_507 : vector<16xi32>
          %gather3A_509 = tpu.vector_load_idx %arg5[%add3A_508] : memref<12800xi32, #tpu.memory_space<vmem>>[vector<16xi32>], vector<16xi32>,
          %swap3A_510 = arith.constant 112 : index
          %swap3A_511 = tpu.vector_load %arg7[%swap3A_510] {strides = array<i32>} : memref<128xi32, #tpu.memory_space<vmem>>, vector<16xi32>,
          tpu.vector_store %arg7[%swap3A_510], %gather3A_509 {strides = array<i32>} : memref<128xi32, #tpu.memory_space<vmem>>, vector<16xi32>,
          %dma_start3A_512 = arith.constant 0 : i32
          %dma_start3A_513 = arith.constant 0 : i32
          %dma_start3A_514 = tpu.memref_slice %arg2[%dma_start3A_512, %dma_start3A_513] : memref<1000000x64xf32, #tpu.memory_space<hbm>> -> memref<1000000x64xf32, #tpu.memory_space<hbm>>
          tpu.enqueue_indirect_dma source(%dma_start3A_514 : memref<1000000x64xf32, #tpu.memory_space<hbm>>) target(%arg9 : memref<128x64xf32, #tpu.memory_space<vmem>>) offsets(%arg7 : memref<128xi32, #tpu.memory_space<vmem>>) semaphore(%arg13 : memref<!tpu.dma_semaphore, #tpu.memory_space<semaphore_mem>>)
        } else {
        }
        %dma_wait3A_103 = arith.constant 0 : i32
        %dma_wait3A_104 = arith.constant 0 : i32
        %dma_wait3A_105 = tpu.memref_slice %arg2[%dma_wait3A_103, %dma_wait3A_104] : memref<1000000x64xf32, #tpu.memory_space<hbm>> -> memref<128x64xf32, #tpu.memory_space<hbm>>
        %dma_wait3A_106 = arith.constant 0 : i32
        %dma_wait3A_107 = arith.constant 0 : i32
        %dma_wait3A_108 = tpu.memref_slice %arg2[%dma_wait3A_106, %dma_wait3A_107] : memref<1000000x64xf32, #tpu.memory_space<hbm>> -> memref<128x64xf32, #tpu.memory_space<hbm>>
        tpu.wait_dma2 semaphore(%arg12 : memref<!tpu.dma_semaphore, #tpu.memory_space<semaphore_mem>>) src(%dma_wait3A_108 : memref<128x64xf32, #tpu.memory_space<hbm>>) dst(%arg8 : memref<128x64xf32, #tpu.memory_space<vmem>>)
        %ge3A = arith.constant 2 : i32
        %ge3A_109 = arith.cmpi sge, %add3A_98, %ge3A : i32
        %convert_element_type3A_110 = arith.extui %ge3A_109 : i1 to i32
        %cond3A_111 = arith.constant 0 : i32
        %cond3A_112 = arith.cmpi ne, %convert_element_type3A_110, %cond3A_111 : i32
        scf.if %cond3A_112 {
          %dma_wait3A_454 = arith.constant 0 : i32
          %dma_wait3A_455 = arith.constant 0 : i32
          %dma_wait3A_456 = tpu.memref_slice %arg10[%dma_wait3A_454, %dma_wait3A_455] : memref<64x129xf32, #tpu.memory_space<vmem>> -> memref<64x128xf32, #tpu.memory_space<vmem>>
          %dma_wait3A_457 = arith.constant 0 : i32
          %dma_wait3A_458 = arith.constant 0 : i32
          %dma_wait3A_459 = tpu.memref_slice %arg4[%dma_wait3A_457, %dma_wait3A_458] : memref<819200x128xf32, #tpu.memory_space<hbm>> -> memref<64x128xf32, #tpu.memory_space<hbm>>
          %dma_wait3A_460 = arith.constant 0 : i32
          %dma_wait3A_461 = arith.constant 0 : i32
          %dma_wait3A_462 = tpu.memref_slice %arg4[%dma_wait3A_460, %dma_wait3A_461] : memref<819200x128xf32, #tpu.memory_space<hbm>> -> memref<64x128xf32, #tpu.memory_space<hbm>>
          %dma_wait3A_463 = arith.constant 0 : i32
          %dma_wait3A_464 = arith.constant 0 : i32
          %dma_wait3A_465 = tpu.memref_slice %arg10[%dma_wait3A_463, %dma_wait3A_464] : memref<64x129xf32, #tpu.memory_space<vmem>> -> memref<64x128xf32, #tpu.memory_space<vmem>>
          tpu.wait_dma2 semaphore(%arg14 : memref<!tpu.dma_semaphore, #tpu.memory_space<semaphore_mem>>) src(%dma_wait3A_465 : memref<64x128xf32, #tpu.memory_space<vmem>>) dst(%dma_wait3A_462 : memref<64x128xf32, #tpu.memory_space<hbm>>)
        } else {
        }
        %add3A_113 = arith.constant 0 : i32
        %add3A_114 = vector.broadcast %add3A_113 : i32 to vector<16xi32>
        %add3A_115 = arith.addi %add3A_114, %iota3A : vector<16xi32>
        %parallel_loop3A = arith.constant 0 : i32
        %parallel_loop3A_116 = arith.constant 128 : i32
        %parallel_loop3A_117 = arith.constant 1 : i32
        scf.for %parallel_loop3A_454 = %parallel_loop3A to %parallel_loop3A_116 step %parallel_loop3A_117  : i32 {
          %parallel_loop3A_455 = arith.index_cast %parallel_loop3A_454 : i32 to index
          %parallel_loop3A_456 = arith.constant 0 : index
          %parallel_loop3A_457 = tpu.vector_load %arg8[%parallel_loop3A_455, %parallel_loop3A_456] {strides = array<i32>} : memref<128x64xf32, #tpu.memory_space<vmem>>, vector<16xf32>,
          %parallel_loop3A_458 = vector.broadcast %parallel_loop3A_454 : i32 to vector<16xi32>
          tpu.vector_store_idx %arg10[%add3A_115, %parallel_loop3A_458], %parallel_loop3A_457 : memref<64x129xf32, #tpu.memory_space<vmem>>[vector<16xi32>, vector<16xi32>], vector<16xf32>,
        } {sc.loop_unroll_factor = 8 : i64, sc.parallel_access}
        %add3A_118 = arith.constant 16 : i32
        %add3A_119 = vector.broadcast %add3A_118 : i32 to vector<16xi32>
        %add3A_120 = arith.addi %add3A_119, %iota3A : vector<16xi32>
        %parallel_loop3A_121 = arith.constant 0 : i32
        %parallel_loop3A_122 = arith.constant 128 : i32
        %parallel_loop3A_123 = arith.constant 1 : i32
        scf.for %parallel_loop3A_454 = %parallel_loop3A_121 to %parallel_loop3A_122 step %parallel_loop3A_123  : i32 {
          %parallel_loop3A_455 = arith.index_cast %parallel_loop3A_454 : i32 to index
          %parallel_loop3A_456 = arith.constant 16 : index
          %parallel_loop3A_457 = tpu.vector_load %arg8[%parallel_loop3A_455, %parallel_loop3A_456] {strides = array<i32>} : memref<128x64xf32, #tpu.memory_space<vmem>>, vector<16xf32>,
          %parallel_loop3A_458 = vector.broadcast %parallel_loop3A_454 : i32 to vector<16xi32>
          tpu.vector_store_idx %arg10[%add3A_120, %parallel_loop3A_458], %parallel_loop3A_457 : memref<64x129xf32, #tpu.memory_space<vmem>>[vector<16xi32>, vector<16xi32>], vector<16xf32>,
        } {sc.loop_unroll_factor = 8 : i64, sc.parallel_access}
        %add3A_124 = arith.constant 32 : i32
        %add3A_125 = vector.broadcast %add3A_124 : i32 to vector<16xi32>
        %add3A_126 = arith.addi %add3A_125, %iota3A : vector<16xi32>
        %parallel_loop3A_127 = arith.constant 0 : i32
        %parallel_loop3A_128 = arith.constant 128 : i32
        %parallel_loop3A_129 = arith.constant 1 : i32
        scf.for %parallel_loop3A_454 = %parallel_loop3A_127 to %parallel_loop3A_128 step %parallel_loop3A_129  : i32 {
          %parallel_loop3A_455 = arith.index_cast %parallel_loop3A_454 : i32 to index
          %parallel_loop3A_456 = arith.constant 32 : index
          %parallel_loop3A_457 = tpu.vector_load %arg8[%parallel_loop3A_455, %parallel_loop3A_456] {strides = array<i32>} : memref<128x64xf32, #tpu.memory_space<vmem>>, vector<16xf32>,
          %parallel_loop3A_458 = vector.broadcast %parallel_loop3A_454 : i32 to vector<16xi32>
          tpu.vector_store_idx %arg10[%add3A_126, %parallel_loop3A_458], %parallel_loop3A_457 : memref<64x129xf32, #tpu.memory_space<vmem>>[vector<16xi32>, vector<16xi32>], vector<16xf32>,
        } {sc.loop_unroll_factor = 8 : i64, sc.parallel_access}
        %add3A_130 = arith.constant 48 : i32
        %add3A_131 = vector.broadcast %add3A_130 : i32 to vector<16xi32>
        %add3A_132 = arith.addi %add3A_131, %iota3A : vector<16xi32>
        %parallel_loop3A_133 = arith.constant 0 : i32
        %parallel_loop3A_134 = arith.constant 128 : i32
        %parallel_loop3A_135 = arith.constant 1 : i32
        scf.for %parallel_loop3A_454 = %parallel_loop3A_133 to %parallel_loop3A_134 step %parallel_loop3A_135  : i32 {
          %parallel_loop3A_455 = arith.index_cast %parallel_loop3A_454 : i32 to index
          %parallel_loop3A_456 = arith.constant 48 : index
          %parallel_loop3A_457 = tpu.vector_load %arg8[%parallel_loop3A_455, %parallel_loop3A_456] {strides = array<i32>} : memref<128x64xf32, #tpu.memory_space<vmem>>, vector<16xf32>,
          %parallel_loop3A_458 = vector.broadcast %parallel_loop3A_454 : i32 to vector<16xi32>
          tpu.vector_store_idx %arg10[%add3A_132, %parallel_loop3A_458], %parallel_loop3A_457 : memref<64x129xf32, #tpu.memory_space<vmem>>[vector<16xi32>, vector<16xi32>], vector<16xf32>,
        } {sc.loop_unroll_factor = 8 : i64, sc.parallel_access}
        %mul3A_136 = arith.constant 8192 : i32
        %mul3A_137 = arith.muli %add3A_98, %mul3A_136 : i32
        %add3A_138 = arith.constant 0 : i32
        %add3A_139 = arith.addi %mul3A_137, %add3A_138 : i32
        %mul3A_140 = arith.constant 8 : i32
        %mul3A_141 = arith.muli %add3A_12, %mul3A_140 : i32
        %add3A_142 = arith.addi %add3A_139, %mul3A_141 : i32
        %dma_start3A_143 = arith.constant 0 : i32
        %dma_start3A_144 = arith.constant 0 : i32
        %dma_start3A_145 = tpu.memref_slice %arg10[%dma_start3A_143, %dma_start3A_144] : memref<64x129xf32, #tpu.memory_space<vmem>> -> memref<8x128xf32, #tpu.memory_space<vmem>>
        %dma_start3A_146 = arith.constant 0 : i32
        %dma_start3A_147 = tpu.memref_slice %arg4[%add3A_142, %dma_start3A_146] : memref<819200x128xf32, #tpu.memory_space<hbm>> -> memref<8x128xf32, #tpu.memory_space<hbm>>
        %dma_start3A_148 = arith.constant 0 : i32
        %dma_start3A_149 = tpu.memref_slice %arg4[%add3A_142, %dma_start3A_148] : memref<819200x128xf32, #tpu.memory_space<hbm>> -> memref<8x128xf32, #tpu.memory_space<hbm>>
        %dma_start3A_150 = arith.constant 0 : i32
        %dma_start3A_151 = arith.constant 0 : i32
        %dma_start3A_152 = tpu.memref_slice %arg10[%dma_start3A_150, %dma_start3A_151] : memref<64x129xf32, #tpu.memory_space<vmem>> -> memref<8x128xf32, #tpu.memory_space<vmem>>
        tpu.enqueue_dma source(%dma_start3A_152 : memref<8x128xf32, #tpu.memory_space<vmem>>) target(%dma_start3A_149 : memref<8x128xf32, #tpu.memory_space<hbm>>) target_semaphore(%arg14 : memref<!tpu.dma_semaphore, #tpu.memory_space<semaphore_mem>>)
        %mul3A_153 = arith.constant 8192 : i32
        %mul3A_154 = arith.muli %add3A_98, %mul3A_153 : i32
        %add3A_155 = arith.constant 1024 : i32
        %add3A_156 = arith.addi %mul3A_154, %add3A_155 : i32
        %mul3A_157 = arith.constant 8 : i32
        %mul3A_158 = arith.muli %add3A_12, %mul3A_157 : i32
        %add3A_159 = arith.addi %add3A_156, %mul3A_158 : i32
        %dma_start3A_160 = arith.constant 8 : i32
        %dma_start3A_161 = arith.constant 0 : i32
        %dma_start3A_162 = tpu.memref_slice %arg10[%dma_start3A_160, %dma_start3A_161] : memref<64x129xf32, #tpu.memory_space<vmem>> -> memref<8x128xf32, #tpu.memory_space<vmem>>
        %dma_start3A_163 = arith.constant 0 : i32
        %dma_start3A_164 = tpu.memref_slice %arg4[%add3A_159, %dma_start3A_163] : memref<819200x128xf32, #tpu.memory_space<hbm>> -> memref<8x128xf32, #tpu.memory_space<hbm>>
        %dma_start3A_165 = arith.constant 0 : i32
        %dma_start3A_166 = tpu.memref_slice %arg4[%add3A_159, %dma_start3A_165] : memref<819200x128xf32, #tpu.memory_space<hbm>> -> memref<8x128xf32, #tpu.memory_space<hbm>>
        %dma_start3A_167 = arith.constant 8 : i32
        %dma_start3A_168 = arith.constant 0 : i32
        %dma_start3A_169 = tpu.memref_slice %arg10[%dma_start3A_167, %dma_start3A_168] : memref<64x129xf32, #tpu.memory_space<vmem>> -> memref<8x128xf32, #tpu.memory_space<vmem>>
        tpu.enqueue_dma source(%dma_start3A_169 : memref<8x128xf32, #tpu.memory_space<vmem>>) target(%dma_start3A_166 : memref<8x128xf32, #tpu.memory_space<hbm>>) target_semaphore(%arg14 : memref<!tpu.dma_semaphore, #tpu.memory_space<semaphore_mem>>)
        %mul3A_170 = arith.constant 8192 : i32
        %mul3A_171 = arith.muli %add3A_98, %mul3A_170 : i32
        %add3A_172 = arith.constant 2048 : i32
        %add3A_173 = arith.addi %mul3A_171, %add3A_172 : i32
        %mul3A_174 = arith.constant 8 : i32
        %mul3A_175 = arith.muli %add3A_12, %mul3A_174 : i32
        %add3A_176 = arith.addi %add3A_173, %mul3A_175 : i32
        %dma_start3A_177 = arith.constant 16 : i32
        %dma_start3A_178 = arith.constant 0 : i32
        %dma_start3A_179 = tpu.memref_slice %arg10[%dma_start3A_177, %dma_start3A_178] : memref<64x129xf32, #tpu.memory_space<vmem>> -> memref<8x128xf32, #tpu.memory_space<vmem>>
        %dma_start3A_180 = arith.constant 0 : i32
        %dma_start3A_181 = tpu.memref_slice %arg4[%add3A_176, %dma_start3A_180] : memref<819200x128xf32, #tpu.memory_space<hbm>> -> memref<8x128xf32, #tpu.memory_space<hbm>>
        %dma_start3A_182 = arith.constant 0 : i32
        %dma_start3A_183 = tpu.memref_slice %arg4[%add3A_176, %dma_start3A_182] : memref<819200x128xf32, #tpu.memory_space<hbm>> -> memref<8x128xf32, #tpu.memory_space<hbm>>
        %dma_start3A_184 = arith.constant 16 : i32
        %dma_start3A_185 = arith.constant 0 : i32
        %dma_start3A_186 = tpu.memref_slice %arg10[%dma_start3A_184, %dma_start3A_185] : memref<64x129xf32, #tpu.memory_space<vmem>> -> memref<8x128xf32, #tpu.memory_space<vmem>>
        tpu.enqueue_dma source(%dma_start3A_186 : memref<8x128xf32, #tpu.memory_space<vmem>>) target(%dma_start3A_183 : memref<8x128xf32, #tpu.memory_space<hbm>>) target_semaphore(%arg14 : memref<!tpu.dma_semaphore, #tpu.memory_space<semaphore_mem>>)
        %mul3A_187 = arith.constant 8192 : i32
        %mul3A_188 = arith.muli %add3A_98, %mul3A_187 : i32
        %add3A_189 = arith.constant 3072 : i32
        %add3A_190 = arith.addi %mul3A_188, %add3A_189 : i32
        %mul3A_191 = arith.constant 8 : i32
        %mul3A_192 = arith.muli %add3A_12, %mul3A_191 : i32
        %add3A_193 = arith.addi %add3A_190, %mul3A_192 : i32
        %dma_start3A_194 = arith.constant 24 : i32
        %dma_start3A_195 = arith.constant 0 : i32
        %dma_start3A_196 = tpu.memref_slice %arg10[%dma_start3A_194, %dma_start3A_195] : memref<64x129xf32, #tpu.memory_space<vmem>> -> memref<8x128xf32, #tpu.memory_space<vmem>>
        %dma_start3A_197 = arith.constant 0 : i32
        %dma_start3A_198 = tpu.memref_slice %arg4[%add3A_193, %dma_start3A_197] : memref<819200x128xf32, #tpu.memory_space<hbm>> -> memref<8x128xf32, #tpu.memory_space<hbm>>
        %dma_start3A_199 = arith.constant 0 : i32
        %dma_start3A_200 = tpu.memref_slice %arg4[%add3A_193, %dma_start3A_199] : memref<819200x128xf32, #tpu.memory_space<hbm>> -> memref<8x128xf32, #tpu.memory_space<hbm>>
        %dma_start3A_201 = arith.constant 24 : i32
        %dma_start3A_202 = arith.constant 0 : i32
        %dma_start3A_203 = tpu.memref_slice %arg10[%dma_start3A_201, %dma_start3A_202] : memref<64x129xf32, #tpu.memory_space<vmem>> -> memref<8x128xf32, #tpu.memory_space<vmem>>
        tpu.enqueue_dma source(%dma_start3A_203 : memref<8x128xf32, #tpu.memory_space<vmem>>) target(%dma_start3A_200 : memref<8x128xf32, #tpu.memory_space<hbm>>) target_semaphore(%arg14 : memref<!tpu.dma_semaphore, #tpu.memory_space<semaphore_mem>>)
        %mul3A_204 = arith.constant 8192 : i32
        %mul3A_205 = arith.muli %add3A_98, %mul3A_204 : i32
        %add3A_206 = arith.constant 4096 : i32
        %add3A_207 = arith.addi %mul3A_205, %add3A_206 : i32
        %mul3A_208 = arith.constant 8 : i32
        %mul3A_209 = arith.muli %add3A_12, %mul3A_208 : i32
        %add3A_210 = arith.addi %add3A_207, %mul3A_209 : i32
        %dma_start3A_211 = arith.constant 32 : i32
        %dma_start3A_212 = arith.constant 0 : i32
        %dma_start3A_213 = tpu.memref_slice %arg10[%dma_start3A_211, %dma_start3A_212] : memref<64x129xf32, #tpu.memory_space<vmem>> -> memref<8x128xf32, #tpu.memory_space<vmem>>
        %dma_start3A_214 = arith.constant 0 : i32
        %dma_start3A_215 = tpu.memref_slice %arg4[%add3A_210, %dma_start3A_214] : memref<819200x128xf32, #tpu.memory_space<hbm>> -> memref<8x128xf32, #tpu.memory_space<hbm>>
        %dma_start3A_216 = arith.constant 0 : i32
        %dma_start3A_217 = tpu.memref_slice %arg4[%add3A_210, %dma_start3A_216] : memref<819200x128xf32, #tpu.memory_space<hbm>> -> memref<8x128xf32, #tpu.memory_space<hbm>>
        %dma_start3A_218 = arith.constant 32 : i32
        %dma_start3A_219 = arith.constant 0 : i32
        %dma_start3A_220 = tpu.memref_slice %arg10[%dma_start3A_218, %dma_start3A_219] : memref<64x129xf32, #tpu.memory_space<vmem>> -> memref<8x128xf32, #tpu.memory_space<vmem>>
        tpu.enqueue_dma source(%dma_start3A_220 : memref<8x128xf32, #tpu.memory_space<vmem>>) target(%dma_start3A_217 : memref<8x128xf32, #tpu.memory_space<hbm>>) target_semaphore(%arg14 : memref<!tpu.dma_semaphore, #tpu.memory_space<semaphore_mem>>)
        %mul3A_221 = arith.constant 8192 : i32
        %mul3A_222 = arith.muli %add3A_98, %mul3A_221 : i32
        %add3A_223 = arith.constant 5120 : i32
        %add3A_224 = arith.addi %mul3A_222, %add3A_223 : i32
        %mul3A_225 = arith.constant 8 : i32
        %mul3A_226 = arith.muli %add3A_12, %mul3A_225 : i32
        %add3A_227 = arith.addi %add3A_224, %mul3A_226 : i32
        %dma_start3A_228 = arith.constant 40 : i32
        %dma_start3A_229 = arith.constant 0 : i32
        %dma_start3A_230 = tpu.memref_slice %arg10[%dma_start3A_228, %dma_start3A_229] : memref<64x129xf32, #tpu.memory_space<vmem>> -> memref<8x128xf32, #tpu.memory_space<vmem>>
        %dma_start3A_231 = arith.constant 0 : i32
        %dma_start3A_232 = tpu.memref_slice %arg4[%add3A_227, %dma_start3A_231] : memref<819200x128xf32, #tpu.memory_space<hbm>> -> memref<8x128xf32, #tpu.memory_space<hbm>>
        %dma_start3A_233 = arith.constant 0 : i32
        %dma_start3A_234 = tpu.memref_slice %arg4[%add3A_227, %dma_start3A_233] : memref<819200x128xf32, #tpu.memory_space<hbm>> -> memref<8x128xf32, #tpu.memory_space<hbm>>
        %dma_start3A_235 = arith.constant 40 : i32
        %dma_start3A_236 = arith.constant 0 : i32
        %dma_start3A_237 = tpu.memref_slice %arg10[%dma_start3A_235, %dma_start3A_236] : memref<64x129xf32, #tpu.memory_space<vmem>> -> memref<8x128xf32, #tpu.memory_space<vmem>>
        tpu.enqueue_dma source(%dma_start3A_237 : memref<8x128xf32, #tpu.memory_space<vmem>>) target(%dma_start3A_234 : memref<8x128xf32, #tpu.memory_space<hbm>>) target_semaphore(%arg14 : memref<!tpu.dma_semaphore, #tpu.memory_space<semaphore_mem>>)
        %mul3A_238 = arith.constant 8192 : i32
        %mul3A_239 = arith.muli %add3A_98, %mul3A_238 : i32
        %add3A_240 = arith.constant 6144 : i32
        %add3A_241 = arith.addi %mul3A_239, %add3A_240 : i32
        %mul3A_242 = arith.constant 8 : i32
        %mul3A_243 = arith.muli %add3A_12, %mul3A_242 : i32
        %add3A_244 = arith.addi %add3A_241, %mul3A_243 : i32
        %dma_start3A_245 = arith.constant 48 : i32
        %dma_start3A_246 = arith.constant 0 : i32
        %dma_start3A_247 = tpu.memref_slice %arg10[%dma_start3A_245, %dma_start3A_246] : memref<64x129xf32, #tpu.memory_space<vmem>> -> memref<8x128xf32, #tpu.memory_space<vmem>>
        %dma_start3A_248 = arith.constant 0 : i32
        %dma_start3A_249 = tpu.memref_slice %arg4[%add3A_244, %dma_start3A_248] : memref<819200x128xf32, #tpu.memory_space<hbm>> -> memref<8x128xf32, #tpu.memory_space<hbm>>
        %dma_start3A_250 = arith.constant 0 : i32
        %dma_start3A_251 = tpu.memref_slice %arg4[%add3A_244, %dma_start3A_250] : memref<819200x128xf32, #tpu.memory_space<hbm>> -> memref<8x128xf32, #tpu.memory_space<hbm>>
        %dma_start3A_252 = arith.constant 48 : i32
        %dma_start3A_253 = arith.constant 0 : i32
        %dma_start3A_254 = tpu.memref_slice %arg10[%dma_start3A_252, %dma_start3A_253] : memref<64x129xf32, #tpu.memory_space<vmem>> -> memref<8x128xf32, #tpu.memory_space<vmem>>
        tpu.enqueue_dma source(%dma_start3A_254 : memref<8x128xf32, #tpu.memory_space<vmem>>) target(%dma_start3A_251 : memref<8x128xf32, #tpu.memory_space<hbm>>) target_semaphore(%arg14 : memref<!tpu.dma_semaphore, #tpu.memory_space<semaphore_mem>>)
        %mul3A_255 = arith.constant 8192 : i32
        %mul3A_256 = arith.muli %add3A_98, %mul3A_255 : i32
        %add3A_257 = arith.constant 7168 : i32
        %add3A_258 = arith.addi %mul3A_256, %add3A_257 : i32
        %mul3A_259 = arith.constant 8 : i32
        %mul3A_260 = arith.muli %add3A_12, %mul3A_259 : i32
        %add3A_261 = arith.addi %add3A_258, %mul3A_260 : i32
        %dma_start3A_262 = arith.constant 56 : i32
        %dma_start3A_263 = arith.constant 0 : i32
        %dma_start3A_264 = tpu.memref_slice %arg10[%dma_start3A_262, %dma_start3A_263] : memref<64x129xf32, #tpu.memory_space<vmem>> -> memref<8x128xf32, #tpu.memory_space<vmem>>
        %dma_start3A_265 = arith.constant 0 : i32
        %dma_start3A_266 = tpu.memref_slice %arg4[%add3A_261, %dma_start3A_265] : memref<819200x128xf32, #tpu.memory_space<hbm>> -> memref<8x128xf32, #tpu.memory_space<hbm>>
        %dma_start3A_267 = arith.constant 0 : i32
        %dma_start3A_268 = tpu.memref_slice %arg4[%add3A_261, %dma_start3A_267] : memref<819200x128xf32, #tpu.memory_space<hbm>> -> memref<8x128xf32, #tpu.memory_space<hbm>>
        %dma_start3A_269 = arith.constant 56 : i32
        %dma_start3A_270 = arith.constant 0 : i32
        %dma_start3A_271 = tpu.memref_slice %arg10[%dma_start3A_269, %dma_start3A_270] : memref<64x129xf32, #tpu.memory_space<vmem>> -> memref<8x128xf32, #tpu.memory_space<vmem>>
        tpu.enqueue_dma source(%dma_start3A_271 : memref<8x128xf32, #tpu.memory_space<vmem>>) target(%dma_start3A_268 : memref<8x128xf32, #tpu.memory_space<hbm>>) target_semaphore(%arg14 : memref<!tpu.dma_semaphore, #tpu.memory_space<semaphore_mem>>)
        %mul3A_272 = arith.constant 2 : i32
        %mul3A_273 = arith.muli %scan3A_94, %mul3A_272 : i32
        %add3A_274 = arith.constant 1 : i32
        %add3A_275 = arith.addi %mul3A_273, %add3A_274 : i32
        %add3A_276 = arith.constant 1 : i32
        %add3A_277 = arith.addi %add3A_275, %add3A_276 : i32
        %lt3A_278 = arith.constant 100 : i32
        %lt3A_279 = arith.cmpi slt, %add3A_277, %lt3A_278 : i32
        %convert_element_type3A_280 = arith.extui %lt3A_279 : i1 to i32
        %cond3A_281 = arith.constant 0 : i32
        %cond3A_282 = arith.cmpi ne, %convert_element_type3A_280, %cond3A_281 : i32
        scf.if %cond3A_282 {
          %add3A_454 = arith.constant 1 : i32
          %add3A_455 = arith.addi %add3A_275, %add3A_454 : i32
          %add3A_456 = arith.constant 0 : i32
          %add3A_457 = arith.addi %add3A_456, %add3A_455 : i32
          %add3A_458 = vector.broadcast %add3A_457 : i32 to vector<16xi32>
          %add3A_459 = arith.addi %mul3A_3, %add3A_458 : vector<16xi32>
          %gather3A_460 = tpu.vector_load_idx %arg5[%add3A_459] : memref<12800xi32, #tpu.memory_space<vmem>>[vector<16xi32>], vector<16xi32>,
          %swap3A_461 = arith.constant 0 : index
          %swap3A_462 = tpu.vector_load %arg6[%swap3A_461] {strides = array<i32>} : memref<128xi32, #tpu.memory_space<vmem>>, vector<16xi32>,
          tpu.vector_store %arg6[%swap3A_461], %gather3A_460 {strides = array<i32>} : memref<128xi32, #tpu.memory_space<vmem>>, vector<16xi32>,
          %add3A_463 = arith.constant 1600 : i32
          %add3A_464 = arith.addi %add3A_463, %add3A_455 : i32
          %add3A_465 = vector.broadcast %add3A_464 : i32 to vector<16xi32>
          %add3A_466 = arith.addi %mul3A_3, %add3A_465 : vector<16xi32>
          %gather3A_467 = tpu.vector_load_idx %arg5[%add3A_466] : memref<12800xi32, #tpu.memory_space<vmem>>[vector<16xi32>], vector<16xi32>,
          %swap3A_468 = arith.constant 16 : index
          %swap3A_469 = tpu.vector_load %arg6[%swap3A_468] {strides = array<i32>} : memref<128xi32, #tpu.memory_space<vmem>>, vector<16xi32>,
          tpu.vector_store %arg6[%swap3A_468], %gather3A_467 {strides = array<i32>} : memref<128xi32, #tpu.memory_space<vmem>>, vector<16xi32>,
          %add3A_470 = arith.constant 3200 : i32
          %add3A_471 = arith.addi %add3A_470, %add3A_455 : i32
          %add3A_472 = vector.broadcast %add3A_471 : i32 to vector<16xi32>
          %add3A_473 = arith.addi %mul3A_3, %add3A_472 : vector<16xi32>
          %gather3A_474 = tpu.vector_load_idx %arg5[%add3A_473] : memref<12800xi32, #tpu.memory_space<vmem>>[vector<16xi32>], vector<16xi32>,
          %swap3A_475 = arith.constant 32 : index
          %swap3A_476 = tpu.vector_load %arg6[%swap3A_475] {strides = array<i32>} : memref<128xi32, #tpu.memory_space<vmem>>, vector<16xi32>,
          tpu.vector_store %arg6[%swap3A_475], %gather3A_474 {strides = array<i32>} : memref<128xi32, #tpu.memory_space<vmem>>, vector<16xi32>,
          %add3A_477 = arith.constant 4800 : i32
          %add3A_478 = arith.addi %add3A_477, %add3A_455 : i32
          %add3A_479 = vector.broadcast %add3A_478 : i32 to vector<16xi32>
          %add3A_480 = arith.addi %mul3A_3, %add3A_479 : vector<16xi32>
          %gather3A_481 = tpu.vector_load_idx %arg5[%add3A_480] : memref<12800xi32, #tpu.memory_space<vmem>>[vector<16xi32>], vector<16xi32>,
          %swap3A_482 = arith.constant 48 : index
          %swap3A_483 = tpu.vector_load %arg6[%swap3A_482] {strides = array<i32>} : memref<128xi32, #tpu.memory_space<vmem>>, vector<16xi32>,
          tpu.vector_store %arg6[%swap3A_482], %gather3A_481 {strides = array<i32>} : memref<128xi32, #tpu.memory_space<vmem>>, vector<16xi32>,
          %add3A_484 = arith.constant 6400 : i32
          %add3A_485 = arith.addi %add3A_484, %add3A_455 : i32
          %add3A_486 = vector.broadcast %add3A_485 : i32 to vector<16xi32>
          %add3A_487 = arith.addi %mul3A_3, %add3A_486 : vector<16xi32>
          %gather3A_488 = tpu.vector_load_idx %arg5[%add3A_487] : memref<12800xi32, #tpu.memory_space<vmem>>[vector<16xi32>], vector<16xi32>,
          %swap3A_489 = arith.constant 64 : index
          %swap3A_490 = tpu.vector_load %arg6[%swap3A_489] {strides = array<i32>} : memref<128xi32, #tpu.memory_space<vmem>>, vector<16xi32>,
          tpu.vector_store %arg6[%swap3A_489], %gather3A_488 {strides = array<i32>} : memref<128xi32, #tpu.memory_space<vmem>>, vector<16xi32>,
          %add3A_491 = arith.constant 8000 : i32
          %add3A_492 = arith.addi %add3A_491, %add3A_455 : i32
          %add3A_493 = vector.broadcast %add3A_492 : i32 to vector<16xi32>
          %add3A_494 = arith.addi %mul3A_3, %add3A_493 : vector<16xi32>
          %gather3A_495 = tpu.vector_load_idx %arg5[%add3A_494] : memref<12800xi32, #tpu.memory_space<vmem>>[vector<16xi32>], vector<16xi32>,
          %swap3A_496 = arith.constant 80 : index
          %swap3A_497 = tpu.vector_load %arg6[%swap3A_496] {strides = array<i32>} : memref<128xi32, #tpu.memory_space<vmem>>, vector<16xi32>,
          tpu.vector_store %arg6[%swap3A_496], %gather3A_495 {strides = array<i32>} : memref<128xi32, #tpu.memory_space<vmem>>, vector<16xi32>,
          %add3A_498 = arith.constant 9600 : i32
          %add3A_499 = arith.addi %add3A_498, %add3A_455 : i32
          %add3A_500 = vector.broadcast %add3A_499 : i32 to vector<16xi32>
          %add3A_501 = arith.addi %mul3A_3, %add3A_500 : vector<16xi32>
          %gather3A_502 = tpu.vector_load_idx %arg5[%add3A_501] : memref<12800xi32, #tpu.memory_space<vmem>>[vector<16xi32>], vector<16xi32>,
          %swap3A_503 = arith.constant 96 : index
          %swap3A_504 = tpu.vector_load %arg6[%swap3A_503] {strides = array<i32>} : memref<128xi32, #tpu.memory_space<vmem>>, vector<16xi32>,
          tpu.vector_store %arg6[%swap3A_503], %gather3A_502 {strides = array<i32>} : memref<128xi32, #tpu.memory_space<vmem>>, vector<16xi32>,
          %add3A_505 = arith.constant 11200 : i32
          %add3A_506 = arith.addi %add3A_505, %add3A_455 : i32
          %add3A_507 = vector.broadcast %add3A_506 : i32 to vector<16xi32>
          %add3A_508 = arith.addi %mul3A_3, %add3A_507 : vector<16xi32>
          %gather3A_509 = tpu.vector_load_idx %arg5[%add3A_508] : memref<12800xi32, #tpu.memory_space<vmem>>[vector<16xi32>], vector<16xi32>,
          %swap3A_510 = arith.constant 112 : index
          %swap3A_511 = tpu.vector_load %arg6[%swap3A_510] {strides = array<i32>} : memref<128xi32, #tpu.memory_space<vmem>>, vector<16xi32>,
          tpu.vector_store %arg6[%swap3A_510], %gather3A_509 {strides = array<i32>} : memref<128xi32, #tpu.memory_space<vmem>>, vector<16xi32>,
          %dma_start3A_512 = arith.constant 0 : i32
          %dma_start3A_513 = arith.constant 0 : i32
          %dma_start3A_514 = tpu.memref_slice %arg2[%dma_start3A_512, %dma_start3A_513] : memref<1000000x64xf32, #tpu.memory_space<hbm>> -> memref<1000000x64xf32, #tpu.memory_space<hbm>>
          tpu.enqueue_indirect_dma source(%dma_start3A_514 : memref<1000000x64xf32, #tpu.memory_space<hbm>>) target(%arg8 : memref<128x64xf32, #tpu.memory_space<vmem>>) offsets(%arg6 : memref<128xi32, #tpu.memory_space<vmem>>) semaphore(%arg12 : memref<!tpu.dma_semaphore, #tpu.memory_space<semaphore_mem>>)
        } else {
        }
        %dma_wait3A_283 = arith.constant 0 : i32
        %dma_wait3A_284 = arith.constant 0 : i32
        %dma_wait3A_285 = tpu.memref_slice %arg2[%dma_wait3A_283, %dma_wait3A_284] : memref<1000000x64xf32, #tpu.memory_space<hbm>> -> memref<128x64xf32, #tpu.memory_space<hbm>>
        %dma_wait3A_286 = arith.constant 0 : i32
        %dma_wait3A_287 = arith.constant 0 : i32
        %dma_wait3A_288 = tpu.memref_slice %arg2[%dma_wait3A_286, %dma_wait3A_287] : memref<1000000x64xf32, #tpu.memory_space<hbm>> -> memref<128x64xf32, #tpu.memory_space<hbm>>
        tpu.wait_dma2 semaphore(%arg13 : memref<!tpu.dma_semaphore, #tpu.memory_space<semaphore_mem>>) src(%dma_wait3A_288 : memref<128x64xf32, #tpu.memory_space<hbm>>) dst(%arg9 : memref<128x64xf32, #tpu.memory_space<vmem>>)
        %ge3A_289 = arith.constant 2 : i32
        %ge3A_290 = arith.cmpi sge, %add3A_275, %ge3A_289 : i32
        %convert_element_type3A_291 = arith.extui %ge3A_290 : i1 to i32
        %cond3A_292 = arith.constant 0 : i32
        %cond3A_293 = arith.cmpi ne, %convert_element_type3A_291, %cond3A_292 : i32
        scf.if %cond3A_293 {
          %dma_wait3A_454 = arith.constant 0 : i32
          %dma_wait3A_455 = arith.constant 0 : i32
          %dma_wait3A_456 = tpu.memref_slice %arg11[%dma_wait3A_454, %dma_wait3A_455] : memref<64x129xf32, #tpu.memory_space<vmem>> -> memref<64x128xf32, #tpu.memory_space<vmem>>
          %dma_wait3A_457 = arith.constant 0 : i32
          %dma_wait3A_458 = arith.constant 0 : i32
          %dma_wait3A_459 = tpu.memref_slice %arg4[%dma_wait3A_457, %dma_wait3A_458] : memref<819200x128xf32, #tpu.memory_space<hbm>> -> memref<64x128xf32, #tpu.memory_space<hbm>>
          %dma_wait3A_460 = arith.constant 0 : i32
          %dma_wait3A_461 = arith.constant 0 : i32
          %dma_wait3A_462 = tpu.memref_slice %arg4[%dma_wait3A_460, %dma_wait3A_461] : memref<819200x128xf32, #tpu.memory_space<hbm>> -> memref<64x128xf32, #tpu.memory_space<hbm>>
          %dma_wait3A_463 = arith.constant 0 : i32
          %dma_wait3A_464 = arith.constant 0 : i32
          %dma_wait3A_465 = tpu.memref_slice %arg11[%dma_wait3A_463, %dma_wait3A_464] : memref<64x129xf32, #tpu.memory_space<vmem>> -> memref<64x128xf32, #tpu.memory_space<vmem>>
          tpu.wait_dma2 semaphore(%arg15 : memref<!tpu.dma_semaphore, #tpu.memory_space<semaphore_mem>>) src(%dma_wait3A_465 : memref<64x128xf32, #tpu.memory_space<vmem>>) dst(%dma_wait3A_462 : memref<64x128xf32, #tpu.memory_space<hbm>>)
        } else {
        }
        %add3A_294 = arith.constant 0 : i32
        %add3A_295 = vector.broadcast %add3A_294 : i32 to vector<16xi32>
        %add3A_296 = arith.addi %add3A_295, %iota3A : vector<16xi32>
        %parallel_loop3A_297 = arith.constant 0 : i32
        %parallel_loop3A_298 = arith.constant 128 : i32
        %parallel_loop3A_299 = arith.constant 1 : i32
        scf.for %parallel_loop3A_454 = %parallel_loop3A_297 to %parallel_loop3A_298 step %parallel_loop3A_299  : i32 {
          %parallel_loop3A_455 = arith.index_cast %parallel_loop3A_454 : i32 to index
          %parallel_loop3A_456 = arith.constant 0 : index
          %parallel_loop3A_457 = tpu.vector_load %arg9[%parallel_loop3A_455, %parallel_loop3A_456] {strides = array<i32>} : memref<128x64xf32, #tpu.memory_space<vmem>>, vector<16xf32>,
          %parallel_loop3A_458 = vector.broadcast %parallel_loop3A_454 : i32 to vector<16xi32>
          tpu.vector_store_idx %arg11[%add3A_296, %parallel_loop3A_458], %parallel_loop3A_457 : memref<64x129xf32, #tpu.memory_space<vmem>>[vector<16xi32>, vector<16xi32>], vector<16xf32>,
        } {sc.loop_unroll_factor = 8 : i64, sc.parallel_access}
        %add3A_300 = arith.constant 16 : i32
        %add3A_301 = vector.broadcast %add3A_300 : i32 to vector<16xi32>
        %add3A_302 = arith.addi %add3A_301, %iota3A : vector<16xi32>
        %parallel_loop3A_303 = arith.constant 0 : i32
        %parallel_loop3A_304 = arith.constant 128 : i32
        %parallel_loop3A_305 = arith.constant 1 : i32
        scf.for %parallel_loop3A_454 = %parallel_loop3A_303 to %parallel_loop3A_304 step %parallel_loop3A_305  : i32 {
          %parallel_loop3A_455 = arith.index_cast %parallel_loop3A_454 : i32 to index
          %parallel_loop3A_456 = arith.constant 16 : index
          %parallel_loop3A_457 = tpu.vector_load %arg9[%parallel_loop3A_455, %parallel_loop3A_456] {strides = array<i32>} : memref<128x64xf32, #tpu.memory_space<vmem>>, vector<16xf32>,
          %parallel_loop3A_458 = vector.broadcast %parallel_loop3A_454 : i32 to vector<16xi32>
          tpu.vector_store_idx %arg11[%add3A_302, %parallel_loop3A_458], %parallel_loop3A_457 : memref<64x129xf32, #tpu.memory_space<vmem>>[vector<16xi32>, vector<16xi32>], vector<16xf32>,
        } {sc.loop_unroll_factor = 8 : i64, sc.parallel_access}
        %add3A_306 = arith.constant 32 : i32
        %add3A_307 = vector.broadcast %add3A_306 : i32 to vector<16xi32>
        %add3A_308 = arith.addi %add3A_307, %iota3A : vector<16xi32>
        %parallel_loop3A_309 = arith.constant 0 : i32
        %parallel_loop3A_310 = arith.constant 128 : i32
        %parallel_loop3A_311 = arith.constant 1 : i32
        scf.for %parallel_loop3A_454 = %parallel_loop3A_309 to %parallel_loop3A_310 step %parallel_loop3A_311  : i32 {
          %parallel_loop3A_455 = arith.index_cast %parallel_loop3A_454 : i32 to index
          %parallel_loop3A_456 = arith.constant 32 : index
          %parallel_loop3A_457 = tpu.vector_load %arg9[%parallel_loop3A_455, %parallel_loop3A_456] {strides = array<i32>} : memref<128x64xf32, #tpu.memory_space<vmem>>, vector<16xf32>,
          %parallel_loop3A_458 = vector.broadcast %parallel_loop3A_454 : i32 to vector<16xi32>
          tpu.vector_store_idx %arg11[%add3A_308, %parallel_loop3A_458], %parallel_loop3A_457 : memref<64x129xf32, #tpu.memory_space<vmem>>[vector<16xi32>, vector<16xi32>], vector<16xf32>,
        } {sc.loop_unroll_factor = 8 : i64, sc.parallel_access}
        %add3A_312 = arith.constant 48 : i32
        %add3A_313 = vector.broadcast %add3A_312 : i32 to vector<16xi32>
        %add3A_314 = arith.addi %add3A_313, %iota3A : vector<16xi32>
        %parallel_loop3A_315 = arith.constant 0 : i32
        %parallel_loop3A_316 = arith.constant 128 : i32
        %parallel_loop3A_317 = arith.constant 1 : i32
        scf.for %parallel_loop3A_454 = %parallel_loop3A_315 to %parallel_loop3A_316 step %parallel_loop3A_317  : i32 {
          %parallel_loop3A_455 = arith.index_cast %parallel_loop3A_454 : i32 to index
          %parallel_loop3A_456 = arith.constant 48 : index
          %parallel_loop3A_457 = tpu.vector_load %arg9[%parallel_loop3A_455, %parallel_loop3A_456] {strides = array<i32>} : memref<128x64xf32, #tpu.memory_space<vmem>>, vector<16xf32>,
          %parallel_loop3A_458 = vector.broadcast %parallel_loop3A_454 : i32 to vector<16xi32>
          tpu.vector_store_idx %arg11[%add3A_314, %parallel_loop3A_458], %parallel_loop3A_457 : memref<64x129xf32, #tpu.memory_space<vmem>>[vector<16xi32>, vector<16xi32>], vector<16xf32>,
        } {sc.loop_unroll_factor = 8 : i64, sc.parallel_access}
        %mul3A_318 = arith.constant 8192 : i32
        %mul3A_319 = arith.muli %add3A_275, %mul3A_318 : i32
        %add3A_320 = arith.constant 0 : i32
        %add3A_321 = arith.addi %mul3A_319, %add3A_320 : i32
        %mul3A_322 = arith.constant 8 : i32
        %mul3A_323 = arith.muli %add3A_12, %mul3A_322 : i32
        %add3A_324 = arith.addi %add3A_321, %mul3A_323 : i32
        %dma_start3A_325 = arith.constant 0 : i32
        %dma_start3A_326 = arith.constant 0 : i32
        %dma_start3A_327 = tpu.memref_slice %arg11[%dma_start3A_325, %dma_start3A_326] : memref<64x129xf32, #tpu.memory_space<vmem>> -> memref<8x128xf32, #tpu.memory_space<vmem>>
        %dma_start3A_328 = arith.constant 0 : i32
        %dma_start3A_329 = tpu.memref_slice %arg4[%add3A_324, %dma_start3A_328] : memref<819200x128xf32, #tpu.memory_space<hbm>> -> memref<8x128xf32, #tpu.memory_space<hbm>>
        %dma_start3A_330 = arith.constant 0 : i32
        %dma_start3A_331 = tpu.memref_slice %arg4[%add3A_324, %dma_start3A_330] : memref<819200x128xf32, #tpu.memory_space<hbm>> -> memref<8x128xf32, #tpu.memory_space<hbm>>
        %dma_start3A_332 = arith.constant 0 : i32
        %dma_start3A_333 = arith.constant 0 : i32
        %dma_start3A_334 = tpu.memref_slice %arg11[%dma_start3A_332, %dma_start3A_333] : memref<64x129xf32, #tpu.memory_space<vmem>> -> memref<8x128xf32, #tpu.memory_space<vmem>>
        tpu.enqueue_dma source(%dma_start3A_334 : memref<8x128xf32, #tpu.memory_space<vmem>>) target(%dma_start3A_331 : memref<8x128xf32, #tpu.memory_space<hbm>>) target_semaphore(%arg15 : memref<!tpu.dma_semaphore, #tpu.memory_space<semaphore_mem>>)
        %mul3A_335 = arith.constant 8192 : i32
        %mul3A_336 = arith.muli %add3A_275, %mul3A_335 : i32
        %add3A_337 = arith.constant 1024 : i32
        %add3A_338 = arith.addi %mul3A_336, %add3A_337 : i32
        %mul3A_339 = arith.constant 8 : i32
        %mul3A_340 = arith.muli %add3A_12, %mul3A_339 : i32
        %add3A_341 = arith.addi %add3A_338, %mul3A_340 : i32
        %dma_start3A_342 = arith.constant 8 : i32
        %dma_start3A_343 = arith.constant 0 : i32
        %dma_start3A_344 = tpu.memref_slice %arg11[%dma_start3A_342, %dma_start3A_343] : memref<64x129xf32, #tpu.memory_space<vmem>> -> memref<8x128xf32, #tpu.memory_space<vmem>>
        %dma_start3A_345 = arith.constant 0 : i32
        %dma_start3A_346 = tpu.memref_slice %arg4[%add3A_341, %dma_start3A_345] : memref<819200x128xf32, #tpu.memory_space<hbm>> -> memref<8x128xf32, #tpu.memory_space<hbm>>
        %dma_start3A_347 = arith.constant 0 : i32
        %dma_start3A_348 = tpu.memref_slice %arg4[%add3A_341, %dma_start3A_347] : memref<819200x128xf32, #tpu.memory_space<hbm>> -> memref<8x128xf32, #tpu.memory_space<hbm>>
        %dma_start3A_349 = arith.constant 8 : i32
        %dma_start3A_350 = arith.constant 0 : i32
        %dma_start3A_351 = tpu.memref_slice %arg11[%dma_start3A_349, %dma_start3A_350] : memref<64x129xf32, #tpu.memory_space<vmem>> -> memref<8x128xf32, #tpu.memory_space<vmem>>
        tpu.enqueue_dma source(%dma_start3A_351 : memref<8x128xf32, #tpu.memory_space<vmem>>) target(%dma_start3A_348 : memref<8x128xf32, #tpu.memory_space<hbm>>) target_semaphore(%arg15 : memref<!tpu.dma_semaphore, #tpu.memory_space<semaphore_mem>>)
        %mul3A_352 = arith.constant 8192 : i32
        %mul3A_353 = arith.muli %add3A_275, %mul3A_352 : i32
        %add3A_354 = arith.constant 2048 : i32
        %add3A_355 = arith.addi %mul3A_353, %add3A_354 : i32
        %mul3A_356 = arith.constant 8 : i32
        %mul3A_357 = arith.muli %add3A_12, %mul3A_356 : i32
        %add3A_358 = arith.addi %add3A_355, %mul3A_357 : i32
        %dma_start3A_359 = arith.constant 16 : i32
        %dma_start3A_360 = arith.constant 0 : i32
        %dma_start3A_361 = tpu.memref_slice %arg11[%dma_start3A_359, %dma_start3A_360] : memref<64x129xf32, #tpu.memory_space<vmem>> -> memref<8x128xf32, #tpu.memory_space<vmem>>
        %dma_start3A_362 = arith.constant 0 : i32
        %dma_start3A_363 = tpu.memref_slice %arg4[%add3A_358, %dma_start3A_362] : memref<819200x128xf32, #tpu.memory_space<hbm>> -> memref<8x128xf32, #tpu.memory_space<hbm>>
        %dma_start3A_364 = arith.constant 0 : i32
        %dma_start3A_365 = tpu.memref_slice %arg4[%add3A_358, %dma_start3A_364] : memref<819200x128xf32, #tpu.memory_space<hbm>> -> memref<8x128xf32, #tpu.memory_space<hbm>>
        %dma_start3A_366 = arith.constant 16 : i32
        %dma_start3A_367 = arith.constant 0 : i32
        %dma_start3A_368 = tpu.memref_slice %arg11[%dma_start3A_366, %dma_start3A_367] : memref<64x129xf32, #tpu.memory_space<vmem>> -> memref<8x128xf32, #tpu.memory_space<vmem>>
        tpu.enqueue_dma source(%dma_start3A_368 : memref<8x128xf32, #tpu.memory_space<vmem>>) target(%dma_start3A_365 : memref<8x128xf32, #tpu.memory_space<hbm>>) target_semaphore(%arg15 : memref<!tpu.dma_semaphore, #tpu.memory_space<semaphore_mem>>)
        %mul3A_369 = arith.constant 8192 : i32
        %mul3A_370 = arith.muli %add3A_275, %mul3A_369 : i32
        %add3A_371 = arith.constant 3072 : i32
        %add3A_372 = arith.addi %mul3A_370, %add3A_371 : i32
        %mul3A_373 = arith.constant 8 : i32
        %mul3A_374 = arith.muli %add3A_12, %mul3A_373 : i32
        %add3A_375 = arith.addi %add3A_372, %mul3A_374 : i32
        %dma_start3A_376 = arith.constant 24 : i32
        %dma_start3A_377 = arith.constant 0 : i32
        %dma_start3A_378 = tpu.memref_slice %arg11[%dma_start3A_376, %dma_start3A_377] : memref<64x129xf32, #tpu.memory_space<vmem>> -> memref<8x128xf32, #tpu.memory_space<vmem>>
        %dma_start3A_379 = arith.constant 0 : i32
        %dma_start3A_380 = tpu.memref_slice %arg4[%add3A_375, %dma_start3A_379] : memref<819200x128xf32, #tpu.memory_space<hbm>> -> memref<8x128xf32, #tpu.memory_space<hbm>>
        %dma_start3A_381 = arith.constant 0 : i32
        %dma_start3A_382 = tpu.memref_slice %arg4[%add3A_375, %dma_start3A_381] : memref<819200x128xf32, #tpu.memory_space<hbm>> -> memref<8x128xf32, #tpu.memory_space<hbm>>
        %dma_start3A_383 = arith.constant 24 : i32
        %dma_start3A_384 = arith.constant 0 : i32
        %dma_start3A_385 = tpu.memref_slice %arg11[%dma_start3A_383, %dma_start3A_384] : memref<64x129xf32, #tpu.memory_space<vmem>> -> memref<8x128xf32, #tpu.memory_space<vmem>>
        tpu.enqueue_dma source(%dma_start3A_385 : memref<8x128xf32, #tpu.memory_space<vmem>>) target(%dma_start3A_382 : memref<8x128xf32, #tpu.memory_space<hbm>>) target_semaphore(%arg15 : memref<!tpu.dma_semaphore, #tpu.memory_space<semaphore_mem>>)
        %mul3A_386 = arith.constant 8192 : i32
        %mul3A_387 = arith.muli %add3A_275, %mul3A_386 : i32
        %add3A_388 = arith.constant 4096 : i32
        %add3A_389 = arith.addi %mul3A_387, %add3A_388 : i32
        %mul3A_390 = arith.constant 8 : i32
        %mul3A_391 = arith.muli %add3A_12, %mul3A_390 : i32
        %add3A_392 = arith.addi %add3A_389, %mul3A_391 : i32
        %dma_start3A_393 = arith.constant 32 : i32
        %dma_start3A_394 = arith.constant 0 : i32
        %dma_start3A_395 = tpu.memref_slice %arg11[%dma_start3A_393, %dma_start3A_394] : memref<64x129xf32, #tpu.memory_space<vmem>> -> memref<8x128xf32, #tpu.memory_space<vmem>>
        %dma_start3A_396 = arith.constant 0 : i32
        %dma_start3A_397 = tpu.memref_slice %arg4[%add3A_392, %dma_start3A_396] : memref<819200x128xf32, #tpu.memory_space<hbm>> -> memref<8x128xf32, #tpu.memory_space<hbm>>
        %dma_start3A_398 = arith.constant 0 : i32
        %dma_start3A_399 = tpu.memref_slice %arg4[%add3A_392, %dma_start3A_398] : memref<819200x128xf32, #tpu.memory_space<hbm>> -> memref<8x128xf32, #tpu.memory_space<hbm>>
        %dma_start3A_400 = arith.constant 32 : i32
        %dma_start3A_401 = arith.constant 0 : i32
        %dma_start3A_402 = tpu.memref_slice %arg11[%dma_start3A_400, %dma_start3A_401] : memref<64x129xf32, #tpu.memory_space<vmem>> -> memref<8x128xf32, #tpu.memory_space<vmem>>
        tpu.enqueue_dma source(%dma_start3A_402 : memref<8x128xf32, #tpu.memory_space<vmem>>) target(%dma_start3A_399 : memref<8x128xf32, #tpu.memory_space<hbm>>) target_semaphore(%arg15 : memref<!tpu.dma_semaphore, #tpu.memory_space<semaphore_mem>>)
        %mul3A_403 = arith.constant 8192 : i32
        %mul3A_404 = arith.muli %add3A_275, %mul3A_403 : i32
        %add3A_405 = arith.constant 5120 : i32
        %add3A_406 = arith.addi %mul3A_404, %add3A_405 : i32
        %mul3A_407 = arith.constant 8 : i32
        %mul3A_408 = arith.muli %add3A_12, %mul3A_407 : i32
        %add3A_409 = arith.addi %add3A_406, %mul3A_408 : i32
        %dma_start3A_410 = arith.constant 40 : i32
        %dma_start3A_411 = arith.constant 0 : i32
        %dma_start3A_412 = tpu.memref_slice %arg11[%dma_start3A_410, %dma_start3A_411] : memref<64x129xf32, #tpu.memory_space<vmem>> -> memref<8x128xf32, #tpu.memory_space<vmem>>
        %dma_start3A_413 = arith.constant 0 : i32
        %dma_start3A_414 = tpu.memref_slice %arg4[%add3A_409, %dma_start3A_413] : memref<819200x128xf32, #tpu.memory_space<hbm>> -> memref<8x128xf32, #tpu.memory_space<hbm>>
        %dma_start3A_415 = arith.constant 0 : i32
        %dma_start3A_416 = tpu.memref_slice %arg4[%add3A_409, %dma_start3A_415] : memref<819200x128xf32, #tpu.memory_space<hbm>> -> memref<8x128xf32, #tpu.memory_space<hbm>>
        %dma_start3A_417 = arith.constant 40 : i32
        %dma_start3A_418 = arith.constant 0 : i32
        %dma_start3A_419 = tpu.memref_slice %arg11[%dma_start3A_417, %dma_start3A_418] : memref<64x129xf32, #tpu.memory_space<vmem>> -> memref<8x128xf32, #tpu.memory_space<vmem>>
        tpu.enqueue_dma source(%dma_start3A_419 : memref<8x128xf32, #tpu.memory_space<vmem>>) target(%dma_start3A_416 : memref<8x128xf32, #tpu.memory_space<hbm>>) target_semaphore(%arg15 : memref<!tpu.dma_semaphore, #tpu.memory_space<semaphore_mem>>)
        %mul3A_420 = arith.constant 8192 : i32
        %mul3A_421 = arith.muli %add3A_275, %mul3A_420 : i32
        %add3A_422 = arith.constant 6144 : i32
        %add3A_423 = arith.addi %mul3A_421, %add3A_422 : i32
        %mul3A_424 = arith.constant 8 : i32
        %mul3A_425 = arith.muli %add3A_12, %mul3A_424 : i32
        %add3A_426 = arith.addi %add3A_423, %mul3A_425 : i32
        %dma_start3A_427 = arith.constant 48 : i32
        %dma_start3A_428 = arith.constant 0 : i32
        %dma_start3A_429 = tpu.memref_slice %arg11[%dma_start3A_427, %dma_start3A_428] : memref<64x129xf32, #tpu.memory_space<vmem>> -> memref<8x128xf32, #tpu.memory_space<vmem>>
        %dma_start3A_430 = arith.constant 0 : i32
        %dma_start3A_431 = tpu.memref_slice %arg4[%add3A_426, %dma_start3A_430] : memref<819200x128xf32, #tpu.memory_space<hbm>> -> memref<8x128xf32, #tpu.memory_space<hbm>>
        %dma_start3A_432 = arith.constant 0 : i32
        %dma_start3A_433 = tpu.memref_slice %arg4[%add3A_426, %dma_start3A_432] : memref<819200x128xf32, #tpu.memory_space<hbm>> -> memref<8x128xf32, #tpu.memory_space<hbm>>
        %dma_start3A_434 = arith.constant 48 : i32
        %dma_start3A_435 = arith.constant 0 : i32
        %dma_start3A_436 = tpu.memref_slice %arg11[%dma_start3A_434, %dma_start3A_435] : memref<64x129xf32, #tpu.memory_space<vmem>> -> memref<8x128xf32, #tpu.memory_space<vmem>>
        tpu.enqueue_dma source(%dma_start3A_436 : memref<8x128xf32, #tpu.memory_space<vmem>>) target(%dma_start3A_433 : memref<8x128xf32, #tpu.memory_space<hbm>>) target_semaphore(%arg15 : memref<!tpu.dma_semaphore, #tpu.memory_space<semaphore_mem>>)
        %mul3A_437 = arith.constant 8192 : i32
        %mul3A_438 = arith.muli %add3A_275, %mul3A_437 : i32
        %add3A_439 = arith.constant 7168 : i32
        %add3A_440 = arith.addi %mul3A_438, %add3A_439 : i32
        %mul3A_441 = arith.constant 8 : i32
        %mul3A_442 = arith.muli %add3A_12, %mul3A_441 : i32
        %add3A_443 = arith.addi %add3A_440, %mul3A_442 : i32
        %dma_start3A_444 = arith.constant 56 : i32
        %dma_start3A_445 = arith.constant 0 : i32
        %dma_start3A_446 = tpu.memref_slice %arg11[%dma_start3A_444, %dma_start3A_445] : memref<64x129xf32, #tpu.memory_space<vmem>> -> memref<8x128xf32, #tpu.memory_space<vmem>>
        %dma_start3A_447 = arith.constant 0 : i32
        %dma_start3A_448 = tpu.memref_slice %arg4[%add3A_443, %dma_start3A_447] : memref<819200x128xf32, #tpu.memory_space<hbm>> -> memref<8x128xf32, #tpu.memory_space<hbm>>
        %dma_start3A_449 = arith.constant 0 : i32
        %dma_start3A_450 = tpu.memref_slice %arg4[%add3A_443, %dma_start3A_449] : memref<819200x128xf32, #tpu.memory_space<hbm>> -> memref<8x128xf32, #tpu.memory_space<hbm>>
        %dma_start3A_451 = arith.constant 56 : i32
        %dma_start3A_452 = arith.constant 0 : i32
        %dma_start3A_453 = tpu.memref_slice %arg11[%dma_start3A_451, %dma_start3A_452] : memref<64x129xf32, #tpu.memory_space<vmem>> -> memref<8x128xf32, #tpu.memory_space<vmem>>
        tpu.enqueue_dma source(%dma_start3A_453 : memref<8x128xf32, #tpu.memory_space<vmem>>) target(%dma_start3A_450 : memref<8x128xf32, #tpu.memory_space<hbm>>) target_semaphore(%arg15 : memref<!tpu.dma_semaphore, #tpu.memory_space<semaphore_mem>>)
      }
      %scan3A_70 = arith.constant 50 : i32
      %dma_wait3A = arith.constant 0 : i32
      %dma_wait3A_71 = arith.constant 0 : i32
      %dma_wait3A_72 = tpu.memref_slice %arg10[%dma_wait3A, %dma_wait3A_71] : memref<64x129xf32, #tpu.memory_space<vmem>> -> memref<64x128xf32, #tpu.memory_space<vmem>>
      %dma_wait3A_73 = arith.constant 0 : i32
      %dma_wait3A_74 = arith.constant 0 : i32
      %dma_wait3A_75 = tpu.memref_slice %arg4[%dma_wait3A_73, %dma_wait3A_74] : memref<819200x128xf32, #tpu.memory_space<hbm>> -> memref<64x128xf32, #tpu.memory_space<hbm>>
      %dma_wait3A_76 = arith.constant 0 : i32
      %dma_wait3A_77 = arith.constant 0 : i32
      %dma_wait3A_78 = tpu.memref_slice %arg4[%dma_wait3A_76, %dma_wait3A_77] : memref<819200x128xf32, #tpu.memory_space<hbm>> -> memref<64x128xf32, #tpu.memory_space<hbm>>
      %dma_wait3A_79 = arith.constant 0 : i32
      %dma_wait3A_80 = arith.constant 0 : i32
      %dma_wait3A_81 = tpu.memref_slice %arg10[%dma_wait3A_79, %dma_wait3A_80] : memref<64x129xf32, #tpu.memory_space<vmem>> -> memref<64x128xf32, #tpu.memory_space<vmem>>
      tpu.wait_dma2 semaphore(%arg14 : memref<!tpu.dma_semaphore, #tpu.memory_space<semaphore_mem>>) src(%dma_wait3A_81 : memref<64x128xf32, #tpu.memory_space<vmem>>) dst(%dma_wait3A_78 : memref<64x128xf32, #tpu.memory_space<hbm>>)
      %dma_wait3A_82 = arith.constant 0 : i32
      %dma_wait3A_83 = arith.constant 0 : i32
      %dma_wait3A_84 = tpu.memref_slice %arg11[%dma_wait3A_82, %dma_wait3A_83] : memref<64x129xf32, #tpu.memory_space<vmem>> -> memref<64x128xf32, #tpu.memory_space<vmem>>
      %dma_wait3A_85 = arith.constant 0 : i32
      %dma_wait3A_86 = arith.constant 0 : i32
      %dma_wait3A_87 = tpu.memref_slice %arg4[%dma_wait3A_85, %dma_wait3A_86] : memref<819200x128xf32, #tpu.memory_space<hbm>> -> memref<64x128xf32, #tpu.memory_space<hbm>>
      %dma_wait3A_88 = arith.constant 0 : i32
      %dma_wait3A_89 = arith.constant 0 : i32
      %dma_wait3A_90 = tpu.memref_slice %arg4[%dma_wait3A_88, %dma_wait3A_89] : memref<819200x128xf32, #tpu.memory_space<hbm>> -> memref<64x128xf32, #tpu.memory_space<hbm>>
      %dma_wait3A_91 = arith.constant 0 : i32
      %dma_wait3A_92 = arith.constant 0 : i32
      %dma_wait3A_93 = tpu.memref_slice %arg11[%dma_wait3A_91, %dma_wait3A_92] : memref<64x129xf32, #tpu.memory_space<vmem>> -> memref<64x128xf32, #tpu.memory_space<vmem>>
      tpu.wait_dma2 semaphore(%arg15 : memref<!tpu.dma_semaphore, #tpu.memory_space<semaphore_mem>>) src(%dma_wait3A_93 : memref<64x128xf32, #tpu.memory_space<vmem>>) dst(%dma_wait3A_90 : memref<64x128xf32, #tpu.memory_space<hbm>>)
    }
    %scan3A_8 = arith.constant 4 : i32
    return
  }
}

module attributes {stable_mosaic.version = 14 : i64} {
  func.func @_idx_body(%arg0: memref<16384x100xi32, #tpu.memory_space<vmem>>, %arg1: memref<16384x100xi32, #tpu.memory_space<vmem>>) attributes {dimension_semantics = [], scalar_prefetch = 0 : i64, scratch_operands = 0 : i64, tpu.core_type = #tpu.core_type<tc>} {
    %iota3A = tpu.iota {dimensions = array<i32: 1>} : vector<16384x100xi32>
    %and3A = arith.constant 1 : i32
    %and3A_0 = vector.broadcast %and3A : i32 to vector<16384x100xi32>
    %and3A_1 = arith.andi %iota3A, %and3A_0 : vector<16384x100xi32>
    %sub3A = arith.subi %iota3A, %and3A_1 : vector<16384x100xi32>
    %mul3A = arith.constant 10000 : i32
    %mul3A_2 = vector.broadcast %mul3A : i32 to vector<16384x100xi32>
    %mul3A_3 = arith.muli %sub3A, %mul3A_2 : vector<16384x100xi32>
    %get3A = arith.constant 0 : index
    %get3A_4 = arith.constant 0 : index
    %get3A_5 = vector.load %arg0[%get3A, %get3A_4] : memref<16384x100xi32, #tpu.memory_space<vmem>>, vector<16384x100xi32>
    %mul3A_6 = arith.constant 2 : i32
    %mul3A_7 = vector.broadcast %mul3A_6 : i32 to vector<16384x100xi32>
    %mul3A_8 = arith.muli %mul3A_7, %get3A_5 : vector<16384x100xi32>
    %add3A = arith.addi %mul3A_3, %mul3A_8 : vector<16384x100xi32>
    %add3A_9 = arith.addi %add3A, %and3A_1 : vector<16384x100xi32>
    %swap3A = arith.constant 0 : index
    %swap3A_10 = arith.constant 0 : index
    %swap3A_11 = vector.load %arg1[%swap3A, %swap3A_10] : memref<16384x100xi32, #tpu.memory_space<vmem>>, vector<16384x100xi32>
    tpu.vector_store %arg1[%swap3A, %swap3A_10], %add3A_9 {strides = array<i32>} : memref<16384x100xi32, #tpu.memory_space<vmem>>, vector<16384x100xi32>,
    return
  }
}

module attributes {stable_mosaic.version = 14 : i64} {
  func.func @_table_body(%arg0: i32, %arg1: memref<20000x64xf32, #tpu.memory_space<vmem>>, %arg2: memref<100x64xf32, #tpu.memory_space<vmem>>, %arg3: memref<64x64xf32, #tpu.memory_space<vmem>>, %arg4: memref<1x64xf32, #tpu.memory_space<vmem>>, %arg5: memref<10000x128xf32, #tpu.memory_space<vmem>>) attributes {dimension_semantics = [#tpu.dimension_semantics<arbitrary>], iteration_bounds = array<i64: 50>, scalar_prefetch = 0 : i64, scratch_operands = 0 : i64, tpu.core_type = #tpu.core_type<tc>, window_params = [{transform_indices = @transform_0, window_bounds = array<i64: 20000, 64>}, {pipeline_mode = #tpu.pipeline_mode<synchronous>, transform_indices = @transform_1, window_bounds = array<i64: 100, 64>}, {pipeline_mode = #tpu.pipeline_mode<synchronous>, transform_indices = @transform_2, window_bounds = array<i64: 64, 64>}, {pipeline_mode = #tpu.pipeline_mode<synchronous>, transform_indices = @transform_3, window_bounds = array<i64: 1, 64>}, {transform_indices = @transform_4, window_bounds = array<i64: 10000, 128>}]} {
    %get3A = arith.constant 0 : index
    %get3A_0 = arith.constant 0 : index
    %get3A_1 = vector.load %arg1[%get3A, %get3A_0] : memref<20000x64xf32, #tpu.memory_space<vmem>>, vector<10000x64xf32>
    %mul3A = arith.constant 2 : i32
    %mul3A_2 = arith.muli %mul3A, %arg0 : i32
    %get3A_3 = arith.index_cast %mul3A_2 : i32 to index
    %get3A_4 = arith.constant 0 : index
    %get3A_5 = vector.load %arg2[%get3A_3, %get3A_4] : memref<100x64xf32, #tpu.memory_space<vmem>>, vector<1x64xf32>
    %add3A = vector.broadcast %get3A_5 : vector<1x64xf32> to vector<10000x64xf32>
    %add3A_6 = arith.addf %get3A_1, %add3A : vector<10000x64xf32>
    %get3A_7 = arith.constant 10000 : index
    %get3A_8 = arith.constant 0 : index
    %get3A_9 = vector.load %arg1[%get3A_7, %get3A_8] : memref<20000x64xf32, #tpu.memory_space<vmem>>, vector<10000x64xf32>
    %mul3A_10 = arith.constant 2 : i32
    %mul3A_11 = arith.muli %mul3A_10, %arg0 : i32
    %add3A_12 = arith.constant 1 : i32
    %add3A_13 = arith.addi %mul3A_11, %add3A_12 : i32
    %get3A_14 = arith.index_cast %add3A_13 : i32 to index
    %get3A_15 = arith.constant 0 : index
    %get3A_16 = vector.load %arg2[%get3A_14, %get3A_15] : memref<100x64xf32, #tpu.memory_space<vmem>>, vector<1x64xf32>
    %add3A_17 = vector.broadcast %get3A_16 : vector<1x64xf32> to vector<10000x64xf32>
    %add3A_18 = arith.addf %get3A_9, %add3A_17 : vector<10000x64xf32>
    %get3A_19 = arith.constant 0 : index
    %get3A_20 = arith.constant 0 : index
    %get3A_21 = vector.load %arg3[%get3A_19, %get3A_20] : memref<64x64xf32, #tpu.memory_space<vmem>>, vector<64x64xf32>
    %dot_general3A = arith.constant dense<0.000000e+00> : vector<10000x64xf32>
    %dot_general3A_22 = tpu.matmul %add3A_6, %get3A_21, %dot_general3A {dimension_numbers = #tpu.dot_dimension_numbers<[1], [0], [0], [1], [0, 0, 1, 1], [], []>, transpose_lhs_hint = false} : vector<10000x64xf32>, vector<64x64xf32>, vector<10000x64xf32> -> vector<10000x64xf32>
    %get3A_23 = arith.constant 0 : index
    %get3A_24 = arith.constant 0 : index
    %get3A_25 = vector.load %arg4[%get3A_23, %get3A_24] : memref<1x64xf32, #tpu.memory_space<vmem>>, vector<1x64xf32>
    %add3A_26 = vector.broadcast %get3A_25 : vector<1x64xf32> to vector<10000x64xf32>
    %add3A_27 = arith.addf %dot_general3A_22, %add3A_26 : vector<10000x64xf32>
    %get3A_28 = arith.constant 0 : index
    %get3A_29 = arith.constant 0 : index
    %get3A_30 = vector.load %arg3[%get3A_28, %get3A_29] : memref<64x64xf32, #tpu.memory_space<vmem>>, vector<64x64xf32>
    %dot_general3A_31 = arith.constant dense<0.000000e+00> : vector<10000x64xf32>
    %dot_general3A_32 = tpu.matmul %add3A_18, %get3A_30, %dot_general3A_31 {dimension_numbers = #tpu.dot_dimension_numbers<[1], [0], [0], [1], [0, 0, 1, 1], [], []>, transpose_lhs_hint = false} : vector<10000x64xf32>, vector<64x64xf32>, vector<10000x64xf32> -> vector<10000x64xf32>
    %get3A_33 = arith.constant 0 : index
    %get3A_34 = arith.constant 0 : index
    %get3A_35 = vector.load %arg4[%get3A_33, %get3A_34] : memref<1x64xf32, #tpu.memory_space<vmem>>, vector<1x64xf32>
    %add3A_36 = vector.broadcast %get3A_35 : vector<1x64xf32> to vector<10000x64xf32>
    %add3A_37 = arith.addf %dot_general3A_32, %add3A_36 : vector<10000x64xf32>
    %concatenate3A = tpu.concatenate %add3A_27, %add3A_37 in 1 : vector<10000x64xf32>, vector<10000x64xf32> -> vector<10000x128xf32>
    %swap3A = arith.constant 0 : index
    %swap3A_38 = arith.constant 0 : index
    %swap3A_39 = vector.load %arg5[%swap3A, %swap3A_38] : memref<10000x128xf32, #tpu.memory_space<vmem>>, vector<10000x128xf32>
    tpu.vector_store %arg5[%swap3A, %swap3A_38], %concatenate3A {strides = array<i32>} : memref<10000x128xf32, #tpu.memory_space<vmem>>, vector<10000x128xf32>,
    return
  }
  func.func @transform_0(%arg0: i32) -> (i32, i32) {
    %c0_i32 = arith.constant 0 : i32
    %c0_i32_0 = arith.constant 0 : i32
    return %arg0, %c0_i32 : i32, i32
  }
  func.func @transform_1(%arg0: i32) -> (i32, i32) {
    %c0_i32 = arith.constant 0 : i32
    %c0_i32_0 = arith.constant 0 : i32
    %c0_i32_1 = arith.constant 0 : i32
    return %c0_i32, %c0_i32_0 : i32, i32
  }
  func.func @transform_2(%arg0: i32) -> (i32, i32) {
    %c0_i32 = arith.constant 0 : i32
    %c0_i32_0 = arith.constant 0 : i32
    %c0_i32_1 = arith.constant 0 : i32
    return %c0_i32, %c0_i32_0 : i32, i32
  }
  func.func @transform_3(%arg0: i32) -> (i32, i32) {
    %c0_i32 = arith.constant 0 : i32
    %c0_i32_0 = arith.constant 0 : i32
    %c0_i32_1 = arith.constant 0 : i32
    return %c0_i32, %c0_i32_0 : i32, i32
  }
  func.func @transform_4(%arg0: i32) -> (i32, i32) {
    %c0_i32 = arith.constant 0 : i32
    %c0_i32_0 = arith.constant 0 : i32
    return %arg0, %c0_i32 : i32, i32
  }
}

</mosaic_0001>

<sc_bundles>
// kernel: kernel.5.cloned.1.call-start
scs
__scs_entry_jumppad:
0x0: {  	(pc) =	sbr.rel $0x88, $3  }
0x1: {  	(tag) =	ssettag $0x0;
	lr =	simm.s32 $0x1  }
0x2: {  	[smem:$0x3F9C] =	sst lr;
	_ =	strace $0xD0000000  }
0x3: {  	_ = 	snop  }
0x4: {  	_ = 	snop  }
0x5: {  	_ = 	snop  }
0x6: {  	_ = 	snop  }
0x7: {  	_ = 	snop  }
__scs_overlays_trampoline_lowered:
0x8: {  	[smem:$0x3FAB] =	sst s0  }
0x9: {  	[smem:$0x3FAC] =	sst s1  }
0xa: {  	[smem:$0x3FAD] =	sst s2  }
0xb: {  	[smem:$0x3FAE] =	sst s3  }
0xc: {  	[smem:$0x3FAF] =	sst s4  }
0xd: {  	[smem:$0x3FB0] =	sst s5  }
0xe: {  	[smem:$0x3FB1] =	sst s6  }
0xf: {  	[smem:$0x3FB2] =	sst s7  }
0x10: {  	[smem:$0x3FB3] =	sst s8  }
0x11: {  	[smem:$0x3FB4] =	sst s9;
	s0 =	simm.s32 @!p0 $0x0  }
0x12: {  	s1 =	sld [smem:$0x3F9A];
	s0 =	simm.s32 @p0 $0x1  }
0x13: {  	[smem:$0x3FB5] =	sst s0;
	s0 =	simm.s32 @!p1 $0x0  }
0x14: {  	s2 =	sld [smem:$0x3F99];
	s0 =	simm.s32 @p1 $0x1  }
0x15: {  	[smem:$0x3FB6] =	sst s0;
	s0 =	simm.s32 @!p2 $0x0  }
0x16: {  	s3 =	sld [smem:$0x3FDB];
	s0 =	simm.s32 @p2 $0x1  }
0x17: {  	s4 =	simm.s32 $0x1BF5;
	[smem:$0x3FB8] =	sst s0  }
0x18: {  	s0 =	sld [smem:$0x3F9B];
	_ =	swait.ge [sflag:s4], $0x0  }
0x19: {  	s7 =	sld [smem:$0x3F9C]  }
0x1a: {  	s8 =	sadd.s32 $0xFFFFE003, lr  }
0x1b: {  	s9 =	sadd.s32 $0xFFFFFEF7, lr;
	s5 =	simm.s32 $0xFFFFFFFF;
	p2 =	slt.u32 s8, $0xFFFFF086  }
0x1c: {  	p1 =	slt.u32 s9, $0xF7A;
	s5 =	simm.s32 @!p2 $0x0  }
0x1d: {  	s5 =	simm.s32 @p1 $0x1;
	p0 =	seq.s32 s7, s2  }
0x1e: {  	s7 =	smul.u32 @!p0 $0xF7A, s2;
	p2 =	seq.s32 @!p0 s5, $0x0  }
0x1f: {  	s9 =	smul.u32 $0xF7A, s1;
	s8 =	simm.s32 @!p0 $0x1BF5;
	p2 =	por !p2, p0  }
0x20: {  	[sflag:s8] =	ssyncset.s32 @!p0 $0xFFFFF086;
	s6 =	sadd.s32 @!p0 s3, s7;
	s7 =	simm.s32 @!p0 $0x108  }
0x21: {  	s3 =	sadd.s32 s3, s9;
	s6 =	sadd.s32 @!p0 $0x88, s6;
	s7 =	simm.s32 @p2 $0x1082  }
0x22: {  	[simem:s7], [sflag:s8] =	dma.local @!p0 [hbm:s6], $0xF7A  }
0x23: {  	s9 =	sor.u32 $0xD0000000, s2;
	s6 =	simm.s32 $0x108;
	_ =	swait.ge @!p0 [sflag:s8], $0x0  }
0x24: {  	s3 =	sadd.s32 $0x88, s3;
	s6 =	simm.s32 @!p1 $0x1082;
	[sflag:s4] =	ssyncset.s32 $0xFFFFF086  }
0x25: {  	[simem:s6], [sflag:s4] =	dma.local [hbm:s3], $0xF7A  }
0x26: {  	[smem:$0x3F9C] =	sst s1;
	(tag) =	ssettag s2;
	_ =	strace s9  }
0x27: {  	s1 =	sld [smem:$0x3FAC]  }
0x28: {  	s2 =	sld [smem:$0x3FAD]  }
0x29: {  	s4 =	sld [smem:$0x3FAF]  }
0x2a: {  	p0 =	seq.s32 s5, $0x0;
	s5 =	sld [smem:$0x3FB0]  }
0x2b: {  	s6 =	sld [smem:$0x3FB1]  }
0x2c: {  	s7 =	sld [smem:$0x3FB2]  }
0x2d: {  	s3 =	simm.s32 $0x108;
	s8 =	sld [smem:$0x3FB3]  }
0x2e: {  	s3 =	simm.s32 @!p0 $0x1082;
	s9 =	sld [smem:$0x3FB4]  }
0x2f: {  	lr =	sadd.s32 s0, s3;
	s0 =	sld [smem:$0x3FAB]  }
0x30: {  	s3 =	sld [smem:$0x3FAE]  }
0x31: {  	[smem:$0x3FB7] =	sst s10  }
0x32: {  	s10 =	sld [smem:$0x3FB5];
	_ =	sdelay $0x3  }
0x33: {  	p0 =	seq.s32 s10, $0x1;
	s10 =	sld [smem:$0x3FB7];
	_ =	sdelay $0x3  }
0x34: {  	[smem:$0x3FB7] =	sst s10  }
0x35: {  	s10 =	sld [smem:$0x3FB6];
	_ =	sdelay $0x3  }
0x36: {  	p1 =	seq.s32 s10, $0x1;
	s10 =	sld [smem:$0x3FB7];
	_ =	sdelay $0x3  }
0x37: {  	[smem:$0x3FB7] =	sst s10  }
0x38: {  	s10 =	sld [smem:$0x3FB8]  }
0x39: {  	_ = 	snop;
	(pc) =	sbr.ind lr, $3  }
0x3a: {  	_ = 	snop  }
0x3b: {  	_ = 	snop  }
0x3c: {  	p2 =	seq.s32 s10, $0x1;
	s10 =	sld [smem:$0x3FB7]  }
0x3d: {  	_ =	shalt  }
0x3e: {  	_ =	shalt  }
0x3f: {  	_ =	shalt  }
0x40: {  	_ =	shalt  }
0x41: {  	_ =	shalt  }
0x42: {  	_ =	shalt  }
0x43: {  	_ =	shalt  }
0x44: {  	_ =	shalt  }
0x45: {  	_ =	shalt  }
0x46: {  	_ =	shalt  }
0x47: {  	_ =	shalt  }
0x48: {  	_ =	shalt  }
0x49: {  	_ =	shalt  }
0x4a: {  	_ =	shalt  }
0x4b: {  	_ =	shalt  }
0x4c: {  	_ =	shalt  }
0x4d: {  	_ =	shalt  }
0x4e: {  	_ =	shalt  }
0x4f: {  	_ =	shalt  }
0x50: {  	_ =	shalt  }
0x51: {  	_ =	shalt  }
0x52: {  	_ =	shalt  }
0x53: {  	_ =	shalt  }
0x54: {  	_ =	shalt  }
0x55: {  	_ =	shalt  }
0x56: {  	_ =	shalt  }
0x57: {  	_ =	shalt  }
0x58: {  	_ =	shalt  }
0x59: {  	_ =	shalt  }
0x5a: {  	_ =	shalt  }
0x5b: {  	_ =	shalt  }
0x5c: {  	_ =	shalt  }
0x5d: {  	_ =	shalt  }
0x5e: {  	_ =	shalt  }
0x5f: {  	_ =	shalt  }
0x60: {  	_ =	shalt  }
0x61: {  	_ =	shalt  }
0x62: {  	_ =	shalt  }
0x63: {  	_ =	shalt  }
0x64: {  	_ =	shalt  }
0x65: {  	_ =	shalt  }
0x66: {  	_ =	shalt  }
0x67: {  	_ =	shalt  }
0x68: {  	_ =	shalt  }
0x69: {  	_ =	shalt  }
0x6a: {  	_ =	shalt  }
0x6b: {  	_ =	shalt  }
0x6c: {  	_ =	shalt  }
0x6d: {  	_ =	shalt  }
0x6e: {  	_ =	shalt  }
0x6f: {  	_ =	shalt  }
0x70: {  	_ =	shalt  }
0x71: {  	_ =	shalt  }
0x72: {  	_ =	shalt  }
0x73: {  	_ =	shalt  }
0x74: {  	_ =	shalt  }
0x75: {  	_ =	shalt  }
0x76: {  	_ =	shalt  }
0x77: {  	_ =	shalt  }
0x78: {  	_ =	shalt  }
0x79: {  	_ =	shalt  }
0x7a: {  	_ =	shalt  }
0x7b: {  	_ =	shalt  }
0x7c: {  	_ =	shalt  }
0x7d: {  	_ =	shalt  }
0x7e: {  	_ =	shalt  }
0x7f: {  	_ =	shalt  }
0x80: {  	_ =	shalt  }
0x81: {  	_ =	shalt  }
0x82: {  	_ =	shalt  }
0x83: {  	_ =	shalt  }
0x84: {  	_ =	shalt  }
0x85: {  	_ =	shalt  }
0x86: {  	_ =	shalt  }
0x87: {  	_ =	shalt  }
.Lfunc_end0:
.L_simem_size_0:
called_computation_lowered:
.L_overlay_start_0:
0x88: {  	s2 =	sld [smem:$0x3FD9]  }
0x89: {  	s3 =	sld [smem:$0x3FFE];
	_ =	sdelay $0x1  }
0x8a: {  	s1 =	srdreg.scid  }
0x8b: {  	s0 =	sand.u32 $0x1, s1  }
0x8c: {  	s17 =	sshll.u32 s0, $0xA;
	s2 =	sadd.s32 s3, s2  }
0x8d: {  	s2 =	sadd.s32 s2, s17  }
0x8e: {  	[smem:$0x3FC3] =	sst s2  }
0x8f: {  	_ = 	snop  }
0x90: {  	s2 =	sld [smem:$0x3FD0];
	(tm) =	ssettm $0x1  }
0x91: {  	s18 =	sld [smem:$0x3FFB];
	_ =	sdelay $0x3  }
0x92: {  	_ =	strace s18  }
0x93: {  	s3 =	sld [smem:$0x3FFC];
	_ =	sdelay $0x3  }
0x94: {  	_ =	strace s3  }
0x95: {  	s3 =	sld [smem:$0x3FFD];
	_ =	sdelay $0x3  }
0x96: {  	_ =	strace s3  }
0x97: {  	_ =	strace $0x8FFFFFFF  }
0x98: {  	s19 =	sld [smem:$0x3FDB];
	_ =	sdelay $0x1  }
0x99: {  	s4 =	simm.s32 $_scs_section_size  }
0x9a: {  	s5 =	simm.s32 $_size__tile_overlayer_lowered;
	s6 =	simm.s32 $_tile_overlayer_lowered  }
0x9b: {  	s22 =	simm.s32 $0x1BFF;
	s21 =	sshll.u32 s6, $0x1;
	s3 =	sadd.s32 s4, s19  }
0x9c: {  	s7 =	simm.s32 $0x0;
	s20 =	sshll.u32 s5, $0x1;
	s5 =	sadd.s32 s21, s3  }
0x9d: {  	[timem:s7], [sflag:s22] =	dma.local [hbm:s5], s20  }
0x9e: {  	_ =	swait.ge [sflag:s22], s20  }
0x9f: {  	s4 =	ssub.s32 $0x0, s20;
	[sflag:s22] =	ssyncset.done $0x0  }
0xa0: {  	[sflag:s22] =	ssyncadd.s32 s4;
	_ =	sdelay $0x1  }
0xa1: {  	s23 =	simm.s32 $0x1B8B  }
0xa2: {  	_ =	swait.ge [sflag:s23], $0x1  }
0xa3: {  	[sflag:s23] =	ssyncset.done $0x0  }
0xa4: {  	s25 =	simm.s32 $0x1B8E;
	s24 =	sld [smem:$0x3FFE];
	[sflag:s23] =	ssyncadd.s32 $0xFFFFFFFF  }
0xa5: {  	s26 =	simm.s32 $execute0_lowered;
	[smem:$0x3FD2] =	sst s25  }
0xa6: {  	s5 =	sshll.u32 s26, $0x1;
	_ =	strace $0x80000046;
	[dreg:$0x1] =	wrdreg $0xFFFFFFFF  }
0xa7: {  	s28 =	simm.s32 $_size_execute0_lowered;
	s3 =	sadd.s32 s3, s5;
	[dreg:$0x0] =	wrdreg $0x0  }
0xa8: {  	s5 =	sshll.u32 s28, $0x1;
	[dreg:$0x2] =	wrdreg s3  }
0xa9: {  	[dreg:$0x3] =	wrdreg s5  }
0xaa: {  	[dreg:$0x4] =	wrdreg $0xC0  }
0xab: {  	_ =	task [dreg:s7], $0x5FFFF  }
0xac: {  	[dreg:$0x1] =	wrdreg $0xFFFFFFFF  }
0xad: {  	[dreg:$0x0] =	wrdreg $0x60  }
0xae: {  	[dreg:$0x2] =	wrdreg s24  }
0xaf: {  	[dreg:$0x3] =	wrdreg s2  }
0xb0: {  	[dreg:$0x4] =	wrdreg $0x9  }
0xb1: {  	_ =	task.clear_ibuf [dreg:s7], $0x5FFFF;
	_ =	strace $0x90000046  }
0xb2: {  	s29 =	simm.s32 $0x9;
	_ =	strace $0x80000048  }
0xb3: {  	_ =	swait.ge [sflag:s29], $0x1  }
0xb4: {  	[sflag:s29] =	ssyncadd.s32 $0xFFFFFFFF  }
0xb5: {  	_ =	strace $0x90000048  }
0xb6: {  	_ =	sfence  }
0xb7: {  	s30 =	sld [smem:$0x0];
	_ =	sdelay $0x2  }
0xb8: {  	s31 =	sshll.u32 s1, $0xD;
	s1 =	sshrl.u32 s1, $0x2  }
0xb9: {  	s3 =	sand.u32 $0x4000, s31;
	s1 =	sadd.s32 s1, s30  }
0xba: {  	s0 =	sor.u32 s3, s0;
	s1 =	sshll.u32 s1, $0x11  }
0xbb: {  	s0 =	sor.u32 s1, s0  }
0xbc: {  	s0 =	sadd.s32 $0x8F2B, s0  }
0xbd: {  	[sflag:s0] =	ssyncadd.remote.s32 $0x1  }
0xbe: {  	_ =	sfence.sel $0xFFFF  }
0xbf: {  	[dreg:$0x0] =	wrdreg $0xFFFFFFFF;
	(pc) =	sbr.abs _section_cstart, $3  }
0xc0: {  	[dreg:$0x1] =	wrdreg $0xFFFFFFFF  }
0xc1: {  	_ =	task.clear_ibuf [dreg:s7], $0x2FFFF;
	_ =	strace $0x9FFFFFFF  }
0xc2: {  	(tm) =	ssettm $0x7FFFFFFF  }
0xc3: {  	_ =	shalt  }
tec
execute0_lowered:
.L_overlay_start_1:
0x0: {  	(tag) =	ssettag $0x1  }
0x1: {  	v6 =	vlaneseq.u32  }
0x2: {  	v0 =	vmul.u32 $0x64, v6  }
0x3: {  	v9 =	vimm.s32 $0x0;
	vm0 =	vcmask $0x300;
	v6 =	vmul.u32 $0x88, v6  }
0x4: {  	s0 =	rddreg [dreg:$0x0];
	v9 =	vsel vm0, $0x3, v9;
	v1 =	vadd.s32 $0x640, v0;
	v4 =	vadd.s32 $0x1900, v0  }
0x5: {  	s1 =	rddreg [dreg:$0x1];
	v5 =	vadd.s32 $0x1F40, v0;
	v7 =	vadd.s32 $0x2580, v0;
	v8 =	vadd.s32 $0x2BC0, v0  }
0x6: {  	s2 =	simm.s32 $0x0;
	s3 =	srdreg.scid;
	s7 =	stileid.u32;
	v10 =	vor.u32 $0x1, v6;
	v11 =	vor.u32 $0x2, v6;
	v12 =	vor.u32 $0x3, v6  }
0x7: {  	s16 =	simm.s32 $0x80;
	s21 =	simm.s32 $0x1;
	s22 =	simm.s32 $0x7300;
	v13 =	vor.u32 $0x4, v6;
	v14 =	vor.u32 $0x5, v6;
	v15 =	vor.u32 $0x6, v6  }
0x8: {  	s14 =	simm.s32 $0x4;
	[smem:$0x7FF] =	sst s2;
	s3 =	sand.u32 $0x1, s3;
	v16 =	vor.u32 $0x7, v6;
	v17 =	vadd.s32 $0x880, v6;
	v18 =	vadd.s32 $0x881, v6  }
0x9: {  	s4 =	sadd.s32 $0xF75000, s0;
	s7 =	sshll.u32 s7, $0x3;
	s0 =	sadd.s32 $0xF43000, s0;
	v19 =	vadd.s32 $0x882, v6;
	v20 =	vadd.s32 $0x883, v6;
	v21 =	vadd.s32 $0x884, v6  }
0xa: {  	s8 =	sadd.s32 $0x8000, s1;
	s9 =	sadd.s32 $0xC000, s1;
	s10 =	sadd.s32 $0x10000, s1;
	v22 =	vadd.s32 $0x885, v6;
	v23 =	vadd.s32 $0x886, v6;
	v24 =	vadd.s32 $0x887, v6  }
0xb: {  	s11 =	sadd.s32 $0x14000, s1;
	s12 =	sadd.s32 $0x18000, s1;
	s13 =	sadd.s32 $0x1C000, s1;
	v25 =	vadd.s32 $0x1100, v6;
	v26 =	vadd.s32 $0x1101, v6;
	v27 =	vadd.s32 $0x1102, v6  }
.Ltmp0:
0xc: {  	_ =	strace $0x80000047;
	s5 =	ssub.s32 $0x2, s3;
	v28 =	vadd.s32 $0x1103, v6;
	v29 =	vadd.s32 $0x1104, v6;
	v30 =	vadd.s32 $0x1105, v6;
	(pc) =	sbr.rel .LBB2_1-.Ltmp0, $4  }
0xd: {  	s3 =	sshll.u32 s3, $0x2;
	[dreg:$0x3] =	wrdreg s0;
	s6 =	sshrl.u32 s5, $0x1;
	v31 =	vadd.s32 $0x1106, v6;
	v32 =	vadd.s32 $0x1107, v6;
	v33 =	vadd.s32 $0x1980, v6  }
0xe: {  	s3 =	sor.u32 s3, s7;
	s7 =	sadd.s32 $0x4000, s1;
	v34 =	vadd.s32 $0x1981, v6;
	v35 =	vadd.s32 $0x1982, v6;
	s31 =	ssub.s32 s5, s6;
	[tilespmem:$0x1FFD0] =	vst v1;
	v1 =	vadd.s32 $0xC80, v0  }
0xf: {  	v36 =	vadd.s32 $0x1983, v6;
	v37 =	vadd.s32 $0x1984, v6;
	[dreg:$0x4] =	wrdreg s3;
	s3 =	simm.s32 $0x2;
	s0 =	smax.u32 s31, $0x1;
	[tilespmem:$0x1FFE0] =	vst v1;
	v1 =	vadd.s32 $0x12C0, v0  }
0x10: {  	v38 =	vadd.s32 $0x1985, v6;
	v39 =	vadd.s32 $0x1986, v6;
	v40 =	vadd.s32 $0x1987, v6;
	s5 =	simm.s32 $0x9500;
	s6 =	simm.s32 $0x0;
	[dreg:$0x5] =	wrdreg s0;
	[tilespmem:$0x1FFF0] =	vst v1  }
.LBB2_38:
0x11: {  	s6 =	rddreg [dreg:$0x6]  }
0x12: {  	s0 =	rddreg [dreg:$0x5];
	s6 =	sadd.s32 $0x1, s6  }
0x13: {  	p0 =	sne.s32 s6, s0  }
.Ltmp1:
0x14: {  	_ = 	snop;
	(pc) =	sbr.rel @!p0 .LBB2_39-.Ltmp1, $1  }
0x15: {  	_ =	sdelay $0x3  }
.LBB2_1:
.Ltmp2:
0x16: {  	(pc) =	sbr.rel .LBB2_2-.Ltmp2, $2  }
0x17: {  	_ =	sdelay $0x2  }
0x18: {  	[dreg:$0x6] =	wrdreg s6;
	s6 =	simm.s32 $0x0  }
.LBB2_37:
0x19: {  	s0 =	simm.s32 $0x3  }
0x1a: {  	_ =	swait.ge [sflag:s0], $0x2000  }
0x1b: {  	[sflag:s0] =	ssyncset.done $0x0  }
0x1c: {  	[sflag:s0] =	ssyncadd.s32 $0xFFFFE000  }
0x1d: {  	_ =	swait.ge [sflag:s14], $0x2000  }
0x1e: {  	s6 =	rddreg [dreg:$0x7]  }
0x1f: {  	s6 =	sadd.s32 $0x1, s6  }
0x20: {  	p0 =	sne.s32 s6, $0x4  }
.Ltmp3:
0x21: {  	_ = 	snop;
	(pc) =	sbr.rel @!p0 .LBB2_38-.Ltmp3, $3  }
0x22: {  	_ =	sdelay $0x1  }
0x23: {  	[sflag:s14] =	ssyncset.done $0x0  }
0x24: {  	[sflag:s14] =	ssyncadd.s32 $0xFFFFE000  }
.LBB2_2:
0x25: {  	s0 =	rddreg [dreg:$0x4]  }
0x26: {  	s0 =	sadd.s32 s0, s6  }
0x27: {  	[dreg:$0x7] =	wrdreg s6;
	s6 =	smul.u32 $0x640, s0  }
0x28: {  	s15 =	rddreg [dreg:$0x3]  }
0x29: {  	s28 =	simm.s32 $0x0;
	s29 =	simm.s32 $0x5;
	s6 =	sadd.s32 s15, s6  }
0x2a: {  	[tilespmem:s28], [sflag:$0x5] =	stream.linear.gather [hbm4b:s6+s28], $0x3200, $0x38;
	[tilespmem:$0xB700] =	vst v63  }
0x2b: {  	_ =	swait.ge [sflag:s29], $0x3200  }
0x2c: {  	[sflag:s29] =	ssyncset.done $0x0;
	v1 =	vld [tilespmem:$0x1FFD0]  }
0x2d: {  	[sflag:s29] =	ssyncadd.s32 $0xFFFFCE00  }
0x2e: {  	v41 =	vld.idx.msk [tilespmem:v0+s28+$0x0], $0xffff;
	_ =	sdelay $0x4  }
0x2f: {  	[tilespmem:$0x3200] =	vst v41  }
0x30: {  	v41 =	vld.idx.msk [tilespmem:v1+s28+$0x0], $0xffff  }
0x31: {  	v1 =	vld [tilespmem:$0x1FFE0];
	_ =	sdelay $0x6  }
0x32: {  	[tilespmem:$0x3210] =	vst v41  }
0x33: {  	v41 =	vld.idx.msk [tilespmem:v1+s28+$0x0], $0xffff  }
0x34: {  	v1 =	vld [tilespmem:$0x1FFF0];
	_ =	sdelay $0x6  }
0x35: {  	[tilespmem:$0x3220] =	vst v41  }
0x36: {  	v41 =	vld.idx.msk [tilespmem:v1+s28+$0x0], $0xffff;
	_ =	sdelay $0x4  }
0x37: {  	[tilespmem:$0x3230] =	vst v41  }
0x38: {  	v41 =	vld.idx.msk [tilespmem:v4+s28+$0x0], $0xffff;
	_ =	sdelay $0x4  }
0x39: {  	[tilespmem:$0x3240] =	vst v41  }
0x3a: {  	v41 =	vld.idx.msk [tilespmem:v5+s28+$0x0], $0xffff;
	_ =	sdelay $0x4  }
0x3b: {  	[tilespmem:$0x3250] =	vst v41  }
0x3c: {  	v41 =	vld.idx.msk [tilespmem:v7+s28+$0x0], $0xffff;
	_ =	sdelay $0x4  }
0x3d: {  	[tilespmem:$0x3260] =	vst v41  }
0x3e: {  	v41 =	vld.idx.msk [tilespmem:v8+s28+$0x0], $0xffff;
	_ =	sdelay $0x3  }
0x3f: {  	s30 =	simm.s32 $0x3200  }
0x40: {  	s31 =	simm.s32 $0x3300;
	s20 =	simm.s32 $0x0;
	s19 =	sshll.u32 s0, $0x7;
	[tilespmem:$0x3270] =	vst v41  }
0x41: {  	[tilespmem:s31], [sflag:$0x1] =	stream.indirect.gather [hbm4b:s4+s16], $0x40, s30, s16, $0xb8;
	[tilespmem:$0xB700] =	vst v63  }
.LBB2_3:
0x42: {  	s23 =	sshllo.u32 s20, $0x1  }
0x43: {  	v41 =	vadd.s32 s23, v0;
	_ =	sdelay $0x3  }
0x44: {  	s24 =	sshll.u32 s20, $0x1  }
0x45: {  	s0 =	sadd.s32 $0x641, s24;
	v41 =	vld.idx.msk [tilespmem:v41+s2+$0x0], $0xffff  }
0x46: {  	v42 =	vadd.s32 s0, v0;
	_ =	sdelay $0x3  }
0x47: {  	[tilespmem:$0x3280] =	vst v41  }
0x48: {  	s31 =	sor.u32 $0xC81, s24;
	v41 =	vld.idx.msk [tilespmem:v42+s2+$0x0], $0xffff  }
0x49: {  	v49 =	vadd.s32 s31, v0;
	_ =	sdelay $0x3  }
0x4a: {  	[tilespmem:$0x3290] =	vst v41  }
0x4b: {  	s6 =	sadd.s32 $0x12C1, s24;
	v41 =	vld.idx.msk [tilespmem:v49+s2+$0x0], $0xffff  }
0x4c: {  	v50 =	vadd.s32 s6, v0;
	_ =	sdelay $0x3  }
0x4d: {  	[tilespmem:$0x32A0] =	vst v41  }
0x4e: {  	s15 =	sor.u32 $0x1901, s24;
	v41 =	vld.idx.msk [tilespmem:v50+s2+$0x0], $0xffff  }
0x4f: {  	v51 =	vadd.s32 s15, v0;
	_ =	sdelay $0x3  }
0x50: {  	[tilespmem:$0x32B0] =	vst v41  }
0x51: {  	s17 =	sadd.s32 $0x1F41, s24;
	v41 =	vld.idx.msk [tilespmem:v51+s2+$0x0], $0xffff  }
0x52: {  	v52 =	vadd.s32 s17, v0;
	_ =	sdelay $0x3  }
0x53: {  	[tilespmem:$0x32C0] =	vst v41  }
0x54: {  	s18 =	sor.u32 $0x2581, s24;
	v41 =	vld.idx.msk [tilespmem:v52+s2+$0x0], $0xffff  }
0x55: {  	v53 =	vadd.s32 s18, v0;
	_ =	sdelay $0x3  }
0x56: {  	[tilespmem:$0x32D0] =	vst v41  }
0x57: {  	s25 =	sadd.s32 $0x2BC1, s24;
	v41 =	vld.idx.msk [tilespmem:v53+s2+$0x0], $0xffff  }
0x58: {  	v54 =	vadd.s32 s25, v0;
	_ =	sdelay $0x3  }
0x59: {  	[tilespmem:$0x32E0] =	vst v41  }
0x5a: {  	v41 =	vld.idx.msk [tilespmem:v54+s2+$0x0], $0xffff;
	_ =	sdelay $0x2  }
0x5b: {  	s26 =	simm.s32 $0x3280;
	s28 =	simm.s32 $0x0  }
0x5c: {  	s29 =	simm.s32 $0x1;
	s30 =	simm.s32 $0x2;
	s6 =	simm.s32 $0x5300  }
0x5d: {  	v55 =	vmov s28;
	s15 =	simm.s32 $0x3;
	s31 =	simm.s32 $0x4;
	s17 =	simm.s32 $0x5;
	[tilespmem:$0x32F0] =	vst v41  }
0x5e: {  	v56 =	vmov s29;
	v43 =	vmov s30;
	[tilespmem:s6], [sflag:$0x2] =	stream.indirect.gather [hbm4b:s4+s16], $0x40, s26, s16, $0xb8;
	[tilespmem:$0xB700] =	vst v63  }
0x5f: {  	s18 =	simm.s32 $0x7;
	s25 =	simm.s32 $0x6;
	v43 =	vshrl.u32 v43, $0x3;
	v44 =	vmov s15;
	v45 =	vmov s31;
	_ =	swait.ge [sflag:s21], $0x2000  }
0x60: {  	p0 =	seq.s32 s20, $0x0;
	v46 =	vmov s17;
	v47 =	vmov s18;
	v48 =	vmov s25;
	[sflag:s21] =	ssyncset.done $0x0  }
0x61: {  	v43 =	vshll.u32 v43, v9;
	v47 =	vshrl.u32 v47, $0x3;
	v44 =	vshrl.u32 v44, $0x3;
	s6 =	simm.s32 @!p0 $0x3;
	[sflag:s21] =	ssyncadd.s32 $0xFFFFE000  }
0x62: {  	v45 =	vshrl.u32 v45, $0x3;
	v47 =	vshll.u32 v47, v9;
	v42 =	vshrl.u32 v56, $0x3;
	_ =	swait.ge @!p0 [sflag:s6], $0x2000  }
0x63: {  	v46 =	vshrl.u32 v46, $0x3;
	v47 =	vbroadcast v47, $0x0;
	v42 =	vshll.u32 v42, v9;
	[sflag:s6] =	ssyncset.done @!p0 $0x0  }
0x64: {  	s25 =	simm.s32 $0x3400;
	v43 =	vbroadcast v43, $0x0;
	v59 =	vshrl.u32 v48, $0x3;
	v42 =	vbroadcast v42, $0x0;
	[sflag:s6] =	ssyncadd.s32 @!p0 $0xFFFFE000  }
0x65: {  	v44 =	vshll.u32 v44, v9;
	v58 =	vshll.u32 v45, v9;
	v47 =	vadd.s32 v16, v47;
	v49 =	vld [tilespmem:s25+$0xC0]  }
0x66: {  	v61 =	vshll.u32 v46, v9;
	v57 =	vbroadcast v44, $0x0;
	v51 =	vadd.s32 v10, v42;
	v50 =	vld [tilespmem:s25+$0xFFFFFF40]  }
0x67: {  	v45 =	vshll.u32 v59, v9;
	v60 =	vbroadcast v58, $0x0;
	v53 =	vadd.s32 v11, v43;
	v52 =	vld [tilespmem:s25+$0xFFFFFF80]  }
0x68: {  	v44 =	vbroadcast v61, $0x0;
	v41 =	vshrl.u32 v55, $0x3;
	v55 =	vadd.s32 v12, v57;
	v54 =	vld [tilespmem:s25+$0xFFFFFFC0]  }
0x69: {  	v62 =	vbroadcast v45, $0x0;
	v45 =	vadd.s32 v13, v60;
	v41 =	vshll.u32 v41, v9;
	v42 =	vld [tilespmem:s25+$0x0]  }
0x6a: {  	v44 =	vadd.s32 v14, v44;
	s26 =	simm.s32 $0x8;
	v56 =	vbroadcast v41, $0x0;
	v43 =	vld [tilespmem:s25+$0x40];
	[tilespmem:v47+s22+$0x0] =	vst.idx.msk $0xffff, v49  }
0x6b: {  	s28 =	simm.s32 $0x9;
	s29 =	simm.s32 $0xA;
	v63 =	vmov s26;
	v46 =	vld [tilespmem:s25+$0x80];
	[tilespmem:v51+s22+$0x0] =	vst.idx.msk $0xffff, v50;
	v47 =	vadd.s32 v15, v62  }
0x6c: {  	s30 =	simm.s32 $0xB;
	s0 =	simm.s32 $0x10;
	s31 =	simm.s32 $0xC;
	v41 =	vshrl.u32 v63, $0x3;
	v48 =	vld [tilespmem:s25+$0xFFFFFF00];
	v50 =	vmov s28;
	v49 =	vadd.s32 v6, v56;
	[tilespmem:v53+s22+$0x0] =	vst.idx.msk $0xffff, v52  }
0x6d: {  	s15 =	simm.s32 $0xE;
	s17 =	simm.s32 $0xF;
	s6 =	simm.s32 $0xD;
	v53 =	vmov s29;
	v51 =	vmov s30;
	v52 =	vmov s31;
	[tilespmem:v55+s22+$0x0] =	vst.idx.msk $0xffff, v54  }
.LBB2_4:
0x6e: {  	p1 =	slt.u32 s0, $0x78;
	v54 =	vmov s6;
	v55 =	vmov s15;
	v56 =	vmov s17;
	[tilespmem:v45+s22+$0x0] =	vst.idx.msk $0xffff, v42  }
0x6f: {  	v42 =	vshrl.u32 v50, $0x3;
	v45 =	vshrl.u32 v53, $0x3;
	v50 =	vshrl.u32 v56, $0x3;
	[tilespmem:v44+s22+$0x0] =	vst.idx.msk $0xffff, v43  }
0x70: {  	v43 =	vshrl.u32 v51, $0x3;
	v44 =	vshrl.u32 v52, $0x3;
	v50 =	vshll.u32 v50, v9;
	[tilespmem:v47+s22+$0x0] =	vst.idx.msk $0xffff, v46  }
0x71: {  	v42 =	vshll.u32 v42, v9;
	v46 =	vshrl.u32 v54, $0x3;
	v47 =	vbroadcast v50, $0x0;
	[tilespmem:v49+s22+$0x0] =	vst.idx.msk $0xffff, v48  }
0x72: {  	s25 =	sadd.s32 $0x200, s25;
	v45 =	vshll.u32 v45, v9;
	v42 =	vbroadcast v42, $0x0;
	v48 =	vshrl.u32 v55, $0x3  }
0x73: {  	v45 =	vbroadcast v45, $0x0;
	v43 =	vshll.u32 v43, v9;
	v49 =	vld [tilespmem:s25+$0xC0];
	v47 =	vadd.s32 v16, v47  }
0x74: {  	v51 =	vadd.s32 v10, v42;
	v42 =	vbroadcast v43, $0x0;
	v43 =	vshll.u32 v44, v9;
	v50 =	vld [tilespmem:s25+$0xFFFFFF40]  }
0x75: {  	v53 =	vadd.s32 v11, v45;
	v44 =	vshll.u32 v46, v9;
	v43 =	vbroadcast v43, $0x0;
	v52 =	vld [tilespmem:s25+$0xFFFFFF80]  }
0x76: {  	v46 =	vshll.u32 v48, v9;
	v44 =	vbroadcast v44, $0x0;
	v55 =	vadd.s32 v12, v42;
	v54 =	vld [tilespmem:s25+$0xFFFFFFC0]  }
.Ltmp4:
0x77: {  	v41 =	vshll.u32 v41, v9;
	v48 =	vbroadcast v46, $0x0;
	v45 =	vadd.s32 v13, v43;
	v42 =	vld [tilespmem:s25+$0x0];
	(pc) =	sbr.rel @p1 .LBB2_4-.Ltmp4, $4  }
0x78: {  	v56 =	vbroadcast v41, $0x0;
	v44 =	vadd.s32 v14, v44;
	v43 =	vld [tilespmem:s25+$0x40];
	[tilespmem:v47+s22+$0x0] =	vst.idx.msk $0xffff, v49  }
0x79: {  	s6 =	sadd.s32 $0x1, s0;
	s15 =	sadd.s32 $0x2, s0;
	v41 =	vmov s0;
	v47 =	vadd.s32 v15, v48;
	[tilespmem:v51+s22+$0x0] =	vst.idx.msk $0xffff, v50;
	v46 =	vld [tilespmem:s25+$0x80]  }
0x7a: {  	s17 =	sadd.s32 $0x3, s0;
	s26 =	sadd.s32 $0x4, s0;
	v41 =	vshrl.u32 v41, $0x3;
	v49 =	vadd.s32 v6, v56;
	v50 =	vmov s6;
	s6 =	sadd.s32 $0x5, s0;
	v48 =	vld [tilespmem:s25+$0xFFFFFF00];
	[tilespmem:v53+s22+$0x0] =	vst.idx.msk $0xffff, v52  }
0x7b: {  	v51 =	vmov s17;
	s17 =	sadd.s32 $0x7, s0;
	v53 =	vmov s15;
	v52 =	vmov s26;
	s15 =	sadd.s32 $0x6, s0;
	s0 =	sadd.s32 $0x8, s0;
	[tilespmem:v55+s22+$0x0] =	vst.idx.msk $0xffff, v54  }
0x7c: {  	v54 =	vmov s6;
	v55 =	vmov s15;
	v56 =	vmov s17  }
0x7d: {  	v50 =	vshrl.u32 v50, $0x3;
	v53 =	vshrl.u32 v53, $0x3;
	v51 =	vshrl.u32 v51, $0x3  }
0x7e: {  	v52 =	vshrl.u32 v52, $0x3;
	v41 =	vshll.u32 v41, v9;
	v50 =	vshll.u32 v50, v9  }
0x7f: {  	v56 =	vshrl.u32 v56, $0x3;
	v53 =	vshll.u32 v53, v9;
	v50 =	vbroadcast v50, $0x0  }
0x80: {  	s0 =	sadd.s32 $0x200, s25;
	v54 =	vshrl.u32 v54, $0x3;
	v51 =	vshll.u32 v51, v9;
	v53 =	vbroadcast v53, $0x0  }
0x81: {  	[tilespmem:v45+s22+$0x0] =	vst.idx.msk $0xffff, v42;
	v42 =	vld [tilespmem:s0+$0xFFFFFF40];
	v59 =	vshll.u32 v52, v9;
	v58 =	vbroadcast v51, $0x0;
	v45 =	vadd.s32 v10, v50  }
0x82: {  	[tilespmem:v44+s22+$0x0] =	vst.idx.msk $0xffff, v43;
	v43 =	vld [tilespmem:s0+$0xFFFFFF80];
	v56 =	vshll.u32 v56, v9;
	v51 =	vbroadcast v59, $0x0;
	v44 =	vadd.s32 v11, v53  }
0x83: {  	v60 =	vshll.u32 v54, v9;
	[tilespmem:v47+s22+$0x0] =	vst.idx.msk $0xffff, v46;
	v46 =	vld [tilespmem:s0+$0xFFFFFFC0];
	v56 =	vbroadcast v56, $0x0;
	v47 =	vadd.s32 v12, v58  }
0x84: {  	v55 =	vshrl.u32 v55, $0x3;
	v61 =	vbroadcast v60, $0x0;
	[tilespmem:v49+s22+$0x0] =	vst.idx.msk $0xffff, v48;
	v48 =	vld [tilespmem:s0+$0x0];
	v63 =	vadd.s32 v13, v51  }
0x85: {  	v57 =	vld [tilespmem:s0+$0xC0];
	v41 =	vbroadcast v41, $0x0;
	v62 =	vshll.u32 v55, v9;
	v56 =	vadd.s32 v16, v56  }
0x86: {  	v59 =	vld [tilespmem:s0+$0x40];
	v58 =	vbroadcast v62, $0x0;
	v50 =	vadd.s32 v14, v61;
	[tilespmem:v45+s22+$0x0] =	vst.idx.msk $0xffff, v42  }
0x87: {  	v62 =	vadd.s32 v6, v41;
	v61 =	vld [tilespmem:s0+$0xFFFFFF00];
	[tilespmem:v44+s22+$0x0] =	vst.idx.msk $0xffff, v43  }
0x88: {  	s25 =	simm.s32 $0x0;
	s30 =	simm.s32 $0x3410;
	p2 =	por $0x1, $0x1;
	v60 =	vld [tilespmem:s0+$0x80];
	v51 =	vadd.s32 v15, v58;
	[tilespmem:v47+s22+$0x0] =	vst.idx.msk $0xffff, v46  }
.Ltmp5:
0x89: {  	s26 =	simm.s32 $0x1;
	s15 =	simm.s32 $0x2;
	[tilespmem:v63+s22+$0x0] =	vst.idx.msk $0xffff, v48;
	(pc) =	sbr.rel @!p2 .LBB2_9-.Ltmp5, $4  }
0x8a: {  	s17 =	simm.s32 $0x3;
	s18 =	simm.s32 $0x4;
	s28 =	simm.s32 $0x6;
	[tilespmem:v56+s22+$0x0] =	vst.idx.msk $0xffff, v57  }
0x8b: {  	s29 =	simm.s32 $0x7;
	p1 =	por $0x0, $0x0;
	s6 =	simm.s32 $0x5;
	v63 =	vmov s25;
	v42 =	vmov s26;
	v44 =	vmov s15;
	[tilespmem:v50+s22+$0x0] =	vst.idx.msk $0xffff, v59  }
0x8c: {  	s31 =	simm.s32 $0x3410;
	p3 =	por $0x0, $0x0;
	s25 =	simm.s32 $0x5;
	v45 =	vmov s17;
	v43 =	vmov s18;
	v41 =	vshrl.u32 v63, $0x3;
	[tilespmem:v62+s22+$0x0] =	vst.idx.msk $0xffff, v61  }
0x8d: {  	s26 =	simm.s32 $0x8;
	s15 =	simm.s32 $0x6;
	s17 =	simm.s32 $0x7;
	v55 =	vmovc v42;
	v56 =	vmovc v44;
	v57 =	vmov v45;
	v58 =	vmov v43;
	[tilespmem:v51+s22+$0x0] =	vst.idx.msk $0xffff, v60;
	v46 =	vmov v41  }
0x8e: {  	v46 =	vmov s25;
	v47 =	vmov s29;
	v48 =	vmov s28  }
0x8f: {  	v49 =	vshrl.u32 v42, $0x3;
	v50 =	vshrl.u32 v44, $0x3;
	v51 =	vshrl.u32 v45, $0x3  }
0x90: {  	v52 =	vshrl.u32 v43, $0x3;
	v47 =	vshrl.u32 v47, $0x3;
	v49 =	vshll.u32 v49, v9  }
0x91: {  	v46 =	vshrl.u32 v46, $0x3;
	v50 =	vshll.u32 v50, v9;
	v49 =	vbroadcast v49, $0x0  }
0x92: {  	v51 =	vshll.u32 v51, v9;
	v47 =	vshll.u32 v47, v9;
	v50 =	vbroadcast v50, $0x0  }
0x93: {  	v55 =	vld [tilespmem:s30+$0xFFFFFF40];
	v60 =	vshll.u32 v52, v9;
	v47 =	vbroadcast v47, $0x0;
	v56 =	vadd.s32 v18, v49  }
0x94: {  	v57 =	vld [tilespmem:s30+$0xFFFFFF80];
	v48 =	vshrl.u32 v48, $0x3;
	v63 =	vbroadcast v51, $0x0;
	v58 =	vadd.s32 v19, v50  }
0x95: {  	v53 =	vld [tilespmem:s30+$0xC0];
	v46 =	vshll.u32 v46, v9;
	v49 =	vbroadcast v60, $0x0;
	v54 =	vadd.s32 v24, v47  }
0x96: {  	v59 =	vld [tilespmem:s30+$0xFFFFFFC0];
	p4 =	por $0x1, $0x1;
	v61 =	vshll.u32 v48, v9;
	v46 =	vbroadcast v46, $0x0;
	v60 =	vadd.s32 v20, v63  }
.Ltmp6:
0x97: {  	v62 =	vshll.u32 v41, v9;
	v51 =	vbroadcast v61, $0x0;
	v47 =	vld [tilespmem:s30+$0x0];
	v48 =	vadd.s32 v21, v49;
	(pc) =	sbr.rel @!p4 .LBB2_7-.Ltmp6, $4  }
0x98: {  	s0 =	simm.s32 $0x9;
	v61 =	vbroadcast v62, $0x0;
	v50 =	vadd.s32 v22, v46;
	v49 =	vld [tilespmem:s30+$0x40];
	[tilespmem:v56+s22+$0x0] =	vst.idx.msk $0xffff, v55  }
0x99: {  	s15 =	simm.s32 $0xA;
	s31 =	simm.s32 $0xB;
	s18 =	simm.s32 $0xC;
	v52 =	vld [tilespmem:s30+$0x80];
	v63 =	vmov s26;
	v51 =	vadd.s32 v23, v51;
	[tilespmem:v58+s22+$0x0] =	vst.idx.msk $0xffff, v57  }
0x9a: {  	s6 =	simm.s32 $0xD;
	s17 =	simm.s32 $0xF;
	p3 =	por $0x1, $0x1;
	v46 =	vshrl.u32 v63, $0x3;
	v55 =	vmov s0;
	[tilespmem:v54+s22+$0x0] =	vst.idx.msk $0xffff, v53;
	v53 =	vld [tilespmem:s30+$0xFFFFFF00];
	v54 =	vadd.s32 v17, v61  }
0x9b: {  	v56 =	vmov s15;
	s15 =	simm.s32 $0xE;
	v57 =	vmov s31;
	v58 =	vmov s18;
	s0 =	simm.s32 $0x10;
	[tilespmem:v60+s22+$0x0] =	vst.idx.msk $0xffff, v59;
	s31 =	simm.s32 $0x3410  }
.LBB2_8:
0x9c: {  	p4 =	slt.u32 s0, $0x78;
	v59 =	vmov s6;
	v60 =	vmov s15;
	v61 =	vmov s17;
	[tilespmem:v48+s22+$0x0] =	vst.idx.msk $0xffff, v47  }
0x9d: {  	v47 =	vshrl.u32 v55, $0x3;
	v48 =	vshrl.u32 v56, $0x3;
	v55 =	vshrl.u32 v61, $0x3;
	[tilespmem:v50+s22+$0x0] =	vst.idx.msk $0xffff, v49  }
0x9e: {  	v49 =	vshrl.u32 v57, $0x3;
	v50 =	vshrl.u32 v58, $0x3;
	v55 =	vshll.u32 v55, v9;
	[tilespmem:v51+s22+$0x0] =	vst.idx.msk $0xffff, v52  }
0x9f: {  	v47 =	vshll.u32 v47, v9;
	v51 =	vshrl.u32 v59, $0x3;
	v52 =	vbroadcast v55, $0x0;
	[tilespmem:v54+s22+$0x0] =	vst.idx.msk $0xffff, v53  }
0xa0: {  	s31 =	sadd.s32 $0x200, s31;
	v48 =	vshll.u32 v48, v9;
	v47 =	vbroadcast v47, $0x0;
	v53 =	vshrl.u32 v60, $0x3  }
0xa1: {  	v48 =	vbroadcast v48, $0x0;
	v49 =	vshll.u32 v49, v9;
	v54 =	vld [tilespmem:s31+$0xC0];
	v52 =	vadd.s32 v24, v52  }
0xa2: {  	v56 =	vadd.s32 v18, v47;
	v47 =	vbroadcast v49, $0x0;
	v49 =	vshll.u32 v50, v9;
	v55 =	vld [tilespmem:s31+$0xFFFFFF40]  }
0xa3: {  	v58 =	vadd.s32 v19, v48;
	v48 =	vbroadcast v49, $0x0;
	v49 =	vshll.u32 v51, v9;
	v57 =	vld [tilespmem:s31+$0xFFFFFF80]  }
0xa4: {  	v60 =	vadd.s32 v20, v47;
	v50 =	vbroadcast v49, $0x0;
	v49 =	vshll.u32 v53, v9;
	v59 =	vld [tilespmem:s31+$0xFFFFFFC0]  }
.Ltmp7:
0xa5: {  	v46 =	vshll.u32 v46, v9;
	v48 =	vadd.s32 v21, v48;
	v51 =	vbroadcast v49, $0x0;
	v47 =	vld [tilespmem:s31+$0x0];
	(pc) =	sbr.rel @p4 .LBB2_8-.Ltmp7, $4  }
0xa6: {  	v61 =	vbroadcast v46, $0x0;
	v50 =	vadd.s32 v22, v50;
	v49 =	vld [tilespmem:s31+$0x40];
	[tilespmem:v52+s22+$0x0] =	vst.idx.msk $0xffff, v54  }
0xa7: {  	s6 =	sadd.s32 $0x1, s0;
	s15 =	sadd.s32 $0x2, s0;
	v46 =	vmov s0;
	v51 =	vadd.s32 v23, v51;
	[tilespmem:v56+s22+$0x0] =	vst.idx.msk $0xffff, v55;
	v52 =	vld [tilespmem:s31+$0x80]  }
0xa8: {  	s17 =	sadd.s32 $0x3, s0;
	s18 =	sadd.s32 $0x4, s0;
	v46 =	vshrl.u32 v46, $0x3;
	v54 =	vadd.s32 v17, v61;
	v55 =	vmov s6;
	s6 =	sadd.s32 $0x5, s0;
	v53 =	vld [tilespmem:s31+$0xFFFFFF00];
	[tilespmem:v58+s22+$0x0] =	vst.idx.msk $0xffff, v57  }
0xa9: {  	v56 =	vmov s15;
	s15 =	sadd.s32 $0x6, s0;
	v57 =	vmov s17;
	v58 =	vmov s18;
	s17 =	sadd.s32 $0x7, s0;
	s0 =	sadd.s32 $0x8, s0;
	[tilespmem:v60+s22+$0x0] =	vst.idx.msk $0xffff, v59  }
.LBB2_9:
0xaa: {  	v59 =	vmov s6;
	v60 =	vmov s15;
	v61 =	vmov s17  }
0xab: {  	v55 =	vshrl.u32 v55, $0x3;
	v56 =	vshrl.u32 v56, $0x3;
	v57 =	vshrl.u32 v57, $0x3  }
0xac: {  	v58 =	vshrl.u32 v58, $0x3;
	v61 =	vshrl.u32 v61, $0x3;
	v55 =	vshll.u32 v55, v9  }
0xad: {  	s0 =	sadd.s32 @p3 $0x200, s31;
	v59 =	vshrl.u32 v59, $0x3;
	v61 =	vshll.u32 v61, v9;
	v55 =	vbroadcast v55, $0x0  }
0xae: {  	v56 =	vshll.u32 v56, v9;
	v60 =	vshrl.u32 v60, $0x3;
	s30 =	smov.u32 @p3 s0;
	v61 =	vbroadcast v61, $0x0  }
0xaf: {  	[tilespmem:v48+s22+$0x0] =	vst.idx.msk @p3 $0xffff, v47;
	v57 =	vshll.u32 v57, v9;
	v56 =	vbroadcast v56, $0x0;
	v47 =	vld [tilespmem:s30+$0xFFFFFF40];
	v48 =	vadd.s32 v18, v55  }
0xb0: {  	v63 =	vshll.u32 v58, v9;
	v62 =	vld [tilespmem:s30+$0xC0];
	v55 =	vbroadcast v57, $0x0;
	v61 =	vadd.s32 v24, v61  }
0xb1: {  	[tilespmem:v50+s22+$0x0] =	vst.idx.msk @p3 $0xffff, v49;
	v49 =	vld [tilespmem:s30+$0xFFFFFF80];
	v50 =	vadd.s32 v19, v56;
	v56 =	vbroadcast v63, $0x0;
	v63 =	vshll.u32 v59, v9  }
0xb2: {  	[tilespmem:v51+s22+$0x0] =	vst.idx.msk @p3 $0xffff, v52;
	v51 =	vld [tilespmem:s30+$0xFFFFFFC0];
	v60 =	vshll.u32 v60, v9;
	v52 =	vadd.s32 v20, v55;
	v55 =	vbroadcast v63, $0x0  }
0xb3: {  	v46 =	vshll.u32 v46, v9;
	[tilespmem:v54+s22+$0x0] =	vst.idx.msk @p3 $0xffff, v53;
	v53 =	vld [tilespmem:s30+$0x0];
	v54 =	vadd.s32 v21, v56;
	v63 =	vbroadcast v60, $0x0  }
0xb4: {  	v46 =	vbroadcast v46, $0x0;
	v60 =	vld [tilespmem:s30+$0x40];
	v55 =	vadd.s32 v22, v55;
	[tilespmem:v48+s22+$0x0] =	vst.idx.msk $0xffff, v47  }
0xb5: {  	[tilespmem:v61+s22+$0x0] =	vst.idx.msk $0xffff, v62;
	v61 =	vld [tilespmem:s30+$0x80];
	v62 =	vadd.s32 v23, v63  }
0xb6: {  	v46 =	vadd.s32 v17, v46;
	[tilespmem:v50+s22+$0x0] =	vst.idx.msk $0xffff, v49;
	v63 =	vld [tilespmem:s30+$0xFFFFFF00]  }
.Ltmp8:
0xb7: {  	[tilespmem:v52+s22+$0x0] =	vst.idx.msk $0xffff, v51;
	(pc) =	sbr.rel @!p2 .LBB2_10-.Ltmp8, $4  }
0xb8: {  	[tilespmem:v54+s22+$0x0] =	vst.idx.msk $0xffff, v53  }
0xb9: {  	[tilespmem:v55+s22+$0x0] =	vst.idx.msk $0xffff, v60  }
0xba: {  	[tilespmem:v62+s22+$0x0] =	vst.idx.msk $0xffff, v61  }
0xbb: {  	s30 =	simm.s32 $0x3420;
	[tilespmem:v46+s22+$0x0] =	vst.idx.msk $0xffff, v63  }
0xbc: {  	v46 =	vmov s25;
	v47 =	vmov s29;
	v48 =	vmov s28  }
0xbd: {  	v42 =	vshrl.u32 v42, $0x3;
	v44 =	vshrl.u32 v44, $0x3;
	v47 =	vshrl.u32 v47, $0x3  }
0xbe: {  	v45 =	vshrl.u32 v45, $0x3;
	v43 =	vshrl.u32 v43, $0x3;
	v47 =	vshll.u32 v47, v9  }
0xbf: {  	v42 =	vshll.u32 v42, v9;
	v46 =	vshrl.u32 v46, $0x3;
	v47 =	vbroadcast v47, $0x0  }
0xc0: {  	v44 =	vshll.u32 v44, v9;
	v45 =	vshll.u32 v45, v9;
	v42 =	vbroadcast v42, $0x0  }
0xc1: {  	v49 =	vld [tilespmem:s30+$0xC0];
	v43 =	vshll.u32 v43, v9;
	v44 =	vbroadcast v44, $0x0;
	v47 =	vadd.s32 v32, v47  }
0xc2: {  	v50 =	vld [tilespmem:s30+$0xFFFFFF40];
	v48 =	vshrl.u32 v48, $0x3;
	v45 =	vbroadcast v45, $0x0;
	v42 =	vadd.s32 v26, v42  }
0xc3: {  	v52 =	vld [tilespmem:s30+$0xFFFFFF80];
	v43 =	vbroadcast v43, $0x0;
	v46 =	vshll.u32 v46, v9;
	v44 =	vadd.s32 v27, v44  }
0xc4: {  	v54 =	vld [tilespmem:s30+$0xFFFFFFC0];
	p2 =	por $0x1, $0x1;
	v61 =	vshll.u32 v48, v9;
	v51 =	vbroadcast v46, $0x0;
	v55 =	vadd.s32 v28, v45  }
.Ltmp9:
0xc5: {  	v41 =	vshll.u32 v41, v9;
	v46 =	vld [tilespmem:s30+$0x0];
	v45 =	vbroadcast v61, $0x0;
	v48 =	vadd.s32 v29, v43;
	(pc) =	sbr.rel @!p2 .LBB2_12-.Ltmp9, $4  }
0xc6: {  	s0 =	simm.s32 $0x9;
	v62 =	vbroadcast v41, $0x0;
	[tilespmem:v47+s22+$0x0] =	vst.idx.msk $0xffff, v49;
	v47 =	vld [tilespmem:s30+$0x40];
	v49 =	vadd.s32 v30, v51  }
0xc7: {  	v63 =	vmov s26;
	s6 =	simm.s32 $0xA;
	s15 =	simm.s32 $0xB;
	s17 =	simm.s32 $0xC;
	[tilespmem:v42+s22+$0x0] =	vst.idx.msk $0xffff, v50;
	v50 =	vadd.s32 v31, v45;
	v51 =	vld [tilespmem:s30+$0x80]  }
0xc8: {  	s25 =	simm.s32 $0xD;
	s28 =	simm.s32 $0xE;
	s29 =	simm.s32 $0xF;
	v41 =	vshrl.u32 v63, $0x3;
	v53 =	vadd.s32 v25, v62;
	v43 =	vmov s17;
	[tilespmem:v44+s22+$0x0] =	vst.idx.msk $0xffff, v52;
	v52 =	vld [tilespmem:s30+$0xFFFFFF00]  }
0xc9: {  	p1 =	por $0x1, $0x1;
	s26 =	simm.s32 $0x3420;
	v42 =	vmov s0;
	v44 =	vmov s6;
	v45 =	vmov s15;
	s0 =	simm.s32 $0x10;
	[tilespmem:v55+s22+$0x0] =	vst.idx.msk $0xffff, v54  }
.LBB2_13:
0xca: {  	p2 =	slt.u32 s0, $0x78;
	v54 =	vmov s25;
	v55 =	vmov s28;
	v56 =	vmov s29;
	[tilespmem:v48+s22+$0x0] =	vst.idx.msk $0xffff, v46  }
0xcb: {  	v42 =	vshrl.u32 v42, $0x3;
	v44 =	vshrl.u32 v44, $0x3;
	v46 =	vshrl.u32 v56, $0x3;
	[tilespmem:v49+s22+$0x0] =	vst.idx.msk $0xffff, v47  }
0xcc: {  	v45 =	vshrl.u32 v45, $0x3;
	v43 =	vshrl.u32 v43, $0x3;
	v46 =	vshll.u32 v46, v9;
	[tilespmem:v50+s22+$0x0] =	vst.idx.msk $0xffff, v51  }
0xcd: {  	v42 =	vshll.u32 v42, v9;
	v47 =	vshrl.u32 v54, $0x3;
	v46 =	vbroadcast v46, $0x0;
	[tilespmem:v53+s22+$0x0] =	vst.idx.msk $0xffff, v52  }
0xce: {  	s26 =	sadd.s32 $0x200, s26;
	v44 =	vshll.u32 v44, v9;
	v48 =	vshrl.u32 v55, $0x3;
	v42 =	vbroadcast v42, $0x0  }
0xcf: {  	v45 =	vshll.u32 v45, v9;
	v44 =	vbroadcast v44, $0x0;
	v50 =	vld [tilespmem:s26+$0xC0];
	v51 =	vadd.s32 v32, v46  }
0xd0: {  	v43 =	vshll.u32 v43, v9;
	v45 =	vbroadcast v45, $0x0;
	v42 =	vadd.s32 v26, v42;
	v52 =	vld [tilespmem:s26+$0xFFFFFF40]  }
0xd1: {  	v43 =	vbroadcast v43, $0x0;
	v44 =	vadd.s32 v27, v44;
	v46 =	vshll.u32 v47, v9;
	v54 =	vld [tilespmem:s26+$0xFFFFFF80]  }
0xd2: {  	v56 =	vadd.s32 v28, v45;
	v47 =	vshll.u32 v48, v9;
	v45 =	vbroadcast v46, $0x0;
	v55 =	vld [tilespmem:s26+$0xFFFFFFC0]  }
.Ltmp10:
0xd3: {  	v41 =	vshll.u32 v41, v9;
	v48 =	vadd.s32 v29, v43;
	v43 =	vbroadcast v47, $0x0;
	v46 =	vld [tilespmem:s26+$0x0];
	(pc) =	sbr.rel @p2 .LBB2_13-.Ltmp10, $4  }
0xd4: {  	v53 =	vbroadcast v41, $0x0;
	v49 =	vadd.s32 v30, v45;
	v47 =	vld [tilespmem:s26+$0x40];
	[tilespmem:v51+s22+$0x0] =	vst.idx.msk $0xffff, v50  }
0xd5: {  	s6 =	sadd.s32 $0x1, s0;
	s15 =	sadd.s32 $0x2, s0;
	v41 =	vmov s0;
	v50 =	vadd.s32 v31, v43;
	[tilespmem:v42+s22+$0x0] =	vst.idx.msk $0xffff, v52;
	v51 =	vld [tilespmem:s26+$0x80]  }
0xd6: {  	s17 =	sadd.s32 $0x4, s0;
	s25 =	sadd.s32 $0x5, s0;
	v41 =	vshrl.u32 v41, $0x3;
	v53 =	vadd.s32 v25, v53;
	v42 =	vmov s6;
	s6 =	sadd.s32 $0x3, s0;
	v52 =	vld [tilespmem:s26+$0xFFFFFF00];
	[tilespmem:v44+s22+$0x0] =	vst.idx.msk $0xffff, v54  }
0xd7: {  	s28 =	sadd.s32 $0x6, s0;
	s29 =	sadd.s32 $0x7, s0;
	v43 =	vmov s17;
	s0 =	sadd.s32 $0x8, s0;
	v44 =	vmov s15;
	v45 =	vmov s6;
	[tilespmem:v56+s22+$0x0] =	vst.idx.msk $0xffff, v55  }
.LBB2_14:
0xd8: {  	v54 =	vmov s25  }
0xd9: {  	v55 =	vmov s28;
	v56 =	vmov s29;
	v42 =	vshrl.u32 v42, $0x3  }
0xda: {  	v44 =	vshrl.u32 v44, $0x3;
	v45 =	vshrl.u32 v45, $0x3;
	v43 =	vshrl.u32 v43, $0x3  }
0xdb: {  	v41 =	vshll.u32 v41, v9;
	v56 =	vshrl.u32 v56, $0x3;
	v42 =	vshll.u32 v42, v9  }
0xdc: {  	s0 =	sadd.s32 @p1 $0x200, s26;
	v54 =	vshrl.u32 v54, $0x3;
	v44 =	vshll.u32 v44, v9;
	v41 =	vbroadcast v41, $0x0  }
0xdd: {  	s30 =	smov.u32 @p1 s0;
	v45 =	vshll.u32 v45, v9;
	v42 =	vbroadcast v42, $0x0;
	v62 =	vshll.u32 v54, v9  }
0xde: {  	[tilespmem:v48+s22+$0x0] =	vst.idx.msk @p1 $0xffff, v46;
	v44 =	vbroadcast v44, $0x0;
	v48 =	vbroadcast v62, $0x0;
	v62 =	vld [tilespmem:s30+$0xFFFFFF00];
	v41 =	vadd.s32 v25, v41  }
0xdf: {  	v43 =	vshll.u32 v43, v9;
	v61 =	vld [tilespmem:s30+$0xFFFFFF40];
	v45 =	vbroadcast v45, $0x0;
	v42 =	vadd.s32 v26, v42  }
0xe0: {  	[tilespmem:v49+s22+$0x0] =	vst.idx.msk @p1 $0xffff, v47;
	v56 =	vshll.u32 v56, v9;
	v47 =	vld [tilespmem:s30+$0xFFFFFF80];
	v43 =	vbroadcast v43, $0x0;
	v44 =	vadd.s32 v27, v44  }
0xe1: {  	v55 =	vshrl.u32 v55, $0x3;
	[tilespmem:v50+s22+$0x0] =	vst.idx.msk @p1 $0xffff, v51;
	v63 =	vld [tilespmem:s30+$0xFFFFFFC0];
	v56 =	vbroadcast v56, $0x0;
	v45 =	vadd.s32 v28, v45  }
0xe2: {  	v55 =	vshll.u32 v55, v9;
	v58 =	vld [tilespmem:s30+$0x0];
	[tilespmem:v53+s22+$0x0] =	vst.idx.msk @p1 $0xffff, v52;
	v43 =	vadd.s32 v29, v43  }
0xe3: {  	v57 =	vld [tilespmem:s30+$0xC0];
	v50 =	vbroadcast v55, $0x0;
	v56 =	vadd.s32 v32, v56;
	[tilespmem:v41+s22+$0x0] =	vst.idx.msk $0xffff, v62  }
0xe4: {  	v59 =	vld [tilespmem:s30+$0x40];
	v48 =	vadd.s32 v30, v48;
	[tilespmem:v42+s22+$0x0] =	vst.idx.msk $0xffff, v61  }
0xe5: {  	p2 =	por $0x1, $0x1;
	v60 =	vld [tilespmem:s30+$0x80];
	v61 =	vadd.s32 v31, v50;
	[tilespmem:v44+s22+$0x0] =	vst.idx.msk $0xffff, v47  }
.Ltmp11:
0xe6: {  	[tilespmem:v45+s22+$0x0] =	vst.idx.msk $0xffff, v63;
	(pc) =	sbr.rel @!p2 .LBB2_15-.Ltmp11, $4  }
0xe7: {  	s25 =	simm.s32 $0x3430;
	s6 =	simm.s32 $0x1;
	[tilespmem:v43+s22+$0x0] =	vst.idx.msk $0xffff, v58  }
0xe8: {  	s15 =	simm.s32 $0x2;
	s17 =	simm.s32 $0x3;
	s30 =	simm.s32 $0x0;
	[tilespmem:v56+s22+$0x0] =	vst.idx.msk $0xffff, v57  }
0xe9: {  	s31 =	simm.s32 $0x4;
	s28 =	simm.s32 $0x5;
	s0 =	simm.s32 $0x8;
	v51 =	vmov s15;
	v53 =	vmov s17;
	v63 =	vmov s30;
	[tilespmem:v48+s22+$0x0] =	vst.idx.msk $0xffff, v59  }
0xea: {  	s15 =	simm.s32 $0x7;
	v52 =	vmov s31;
	p1 =	por $0x0, $0x0;
	v50 =	vmov s6;
	s6 =	simm.s32 $0x6;
	v41 =	vshrl.u32 v63, $0x3;
	[tilespmem:v61+s22+$0x0] =	vst.idx.msk $0xffff, v60  }
0xeb: {  	v42 =	vmov s28;
	v43 =	vmov s15;
	v44 =	vmov s6  }
0xec: {  	v45 =	vshrl.u32 v50, $0x3;
	v46 =	vshrl.u32 v51, $0x3;
	v43 =	vshrl.u32 v43, $0x3  }
0xed: {  	v47 =	vshrl.u32 v53, $0x3;
	v48 =	vshrl.u32 v52, $0x3;
	v43 =	vshll.u32 v43, v9  }
0xee: {  	v45 =	vshll.u32 v45, v9;
	v42 =	vshrl.u32 v42, $0x3;
	v43 =	vbroadcast v43, $0x0  }
0xef: {  	v46 =	vshll.u32 v46, v9;
	v47 =	vshll.u32 v47, v9;
	v45 =	vbroadcast v45, $0x0  }
0xf0: {  	v49 =	vld [tilespmem:s25+$0xC0];
	v56 =	vshll.u32 v48, v9;
	v46 =	vbroadcast v46, $0x0;
	v43 =	vadd.s32 v40, v43  }
0xf1: {  	v50 =	vld [tilespmem:s25+$0xFFFFFF40];
	v44 =	vshrl.u32 v44, $0x3;
	v63 =	vbroadcast v47, $0x0;
	v51 =	vadd.s32 v34, v45  }
0xf2: {  	v57 =	vld [tilespmem:s25+$0xFFFFFF80];
	v59 =	vbroadcast v56, $0x0;
	v42 =	vshll.u32 v42, v9;
	v58 =	vadd.s32 v35, v46  }
0xf3: {  	v54 =	vld [tilespmem:s25+$0xFFFFFFC0];
	p2 =	por $0x1, $0x1;
	v44 =	vshll.u32 v44, v9;
	v60 =	vbroadcast v42, $0x0;
	v55 =	vadd.s32 v36, v63  }
.Ltmp12:
0xf4: {  	v41 =	vshll.u32 v41, v9;
	v61 =	vbroadcast v44, $0x0;
	v42 =	vld [tilespmem:s25+$0x0];
	v44 =	vadd.s32 v37, v59;
	(pc) =	sbr.rel @!p2 .LBB2_17-.Ltmp12, $4  }
0xf5: {  	s17 =	simm.s32 $0xB;
	v62 =	vbroadcast v41, $0x0;
	v45 =	vadd.s32 v38, v60;
	[tilespmem:v43+s22+$0x0] =	vst.idx.msk $0xffff, v49;
	v43 =	vld [tilespmem:s25+$0x40]  }
0xf6: {  	s30 =	simm.s32 $0x9;
	s31 =	simm.s32 $0xA;
	s18 =	simm.s32 $0xC;
	v53 =	vmov s17;
	v47 =	vld [tilespmem:s25+$0x80];
	v46 =	vadd.s32 v39, v61;
	[tilespmem:v51+s22+$0x0] =	vst.idx.msk $0xffff, v50  }
0xf7: {  	s28 =	simm.s32 $0xD;
	s6 =	simm.s32 $0xE;
	s15 =	simm.s32 $0xF;
	v48 =	vld [tilespmem:s25+$0xFFFFFF00];
	v52 =	vmov s18;
	v63 =	vmov s0;
	[tilespmem:v58+s22+$0x0] =	vst.idx.msk $0xffff, v57;
	v49 =	vadd.s32 v33, v62  }
0xf8: {  	p1 =	por $0x1, $0x1;
	s26 =	simm.s32 $0x3430;
	s0 =	simm.s32 $0x10;
	v41 =	vshrl.u32 v63, $0x3;
	v50 =	vmov s30;
	v51 =	vmov s31;
	[tilespmem:v55+s22+$0x0] =	vst.idx.msk $0xffff, v54  }
.LBB2_18:
0xf9: {  	p2 =	slt.u32 s0, $0x78;
	v54 =	vmov s28;
	v55 =	vmov s6;
	v56 =	vmov s15;
	[tilespmem:v44+s22+$0x0] =	vst.idx.msk $0xffff, v42  }
0xfa: {  	v42 =	vshrl.u32 v50, $0x3;
	v44 =	vshrl.u32 v51, $0x3;
	v50 =	vshrl.u32 v56, $0x3;
	[tilespmem:v45+s22+$0x0] =	vst.idx.msk $0xffff, v43  }
0xfb: {  	v43 =	vshrl.u32 v53, $0x3;
	v45 =	vshrl.u32 v52, $0x3;
	v50 =	vshll.u32 v50, v9;
	[tilespmem:v46+s22+$0x0] =	vst.idx.msk $0xffff, v47  }
0xfc: {  	v42 =	vshll.u32 v42, v9;
	v46 =	vshrl.u32 v54, $0x3;
	v47 =	vbroadcast v50, $0x0;
	[tilespmem:v49+s22+$0x0] =	vst.idx.msk $0xffff, v48  }
0xfd: {  	s26 =	sadd.s32 $0x200, s26;
	v44 =	vshll.u32 v44, v9;
	v42 =	vbroadcast v42, $0x0;
	v48 =	vshrl.u32 v55, $0x3  }
0xfe: {  	v44 =	vbroadcast v44, $0x0;
	v43 =	vshll.u32 v43, v9;
	v49 =	vld [tilespmem:s26+$0xC0];
	v47 =	vadd.s32 v40, v47  }
0xff: {  	v51 =	vadd.s32 v34, v42;
	v42 =	vbroadcast v43, $0x0;
	v43 =	vshll.u32 v45, v9;
	v50 =	vld [tilespmem:s26+$0xFFFFFF40]  }
0x100: {  	v53 =	vadd.s32 v35, v44;
	v44 =	vshll.u32 v46, v9;
	v43 =	vbroadcast v43, $0x0;
	v52 =	vld [tilespmem:s26+$0xFFFFFF80]  }
0x101: {  	v46 =	vshll.u32 v48, v9;
	v45 =	vbroadcast v44, $0x0;
	v55 =	vadd.s32 v36, v42;
	v54 =	vld [tilespmem:s26+$0xFFFFFFC0]  }
.Ltmp13:
0x102: {  	v41 =	vshll.u32 v41, v9;
	v46 =	vbroadcast v46, $0x0;
	v44 =	vadd.s32 v37, v43;
	v42 =	vld [tilespmem:s26+$0x0];
	(pc) =	sbr.rel @p2 .LBB2_18-.Ltmp13, $4  }
0x103: {  	v56 =	vbroadcast v41, $0x0;
	v45 =	vadd.s32 v38, v45;
	v43 =	vld [tilespmem:s26+$0x40];
	[tilespmem:v47+s22+$0x0] =	vst.idx.msk $0xffff, v49  }
0x104: {  	s6 =	sadd.s32 $0x1, s0;
	s15 =	sadd.s32 $0x2, s0;
	v41 =	vmov s0;
	v46 =	vadd.s32 v39, v46;
	[tilespmem:v51+s22+$0x0] =	vst.idx.msk $0xffff, v50;
	v47 =	vld [tilespmem:s26+$0x80]  }
0x105: {  	s17 =	sadd.s32 $0x4, s0;
	s28 =	sadd.s32 $0x5, s0;
	v41 =	vshrl.u32 v41, $0x3;
	v49 =	vadd.s32 v33, v56;
	v50 =	vmov s6;
	s6 =	sadd.s32 $0x3, s0;
	v48 =	vld [tilespmem:s26+$0xFFFFFF00];
	[tilespmem:v53+s22+$0x0] =	vst.idx.msk $0xffff, v52  }
0x106: {  	v51 =	vmov s15;
	s15 =	sadd.s32 $0x7, s0;
	v53 =	vmov s6;
	v52 =	vmov s17;
	s6 =	sadd.s32 $0x6, s0;
	s0 =	sadd.s32 $0x8, s0;
	[tilespmem:v55+s22+$0x0] =	vst.idx.msk $0xffff, v54  }
.LBB2_19:
0x107: {  	v54 =	vmov s28  }
0x108: {  	v55 =	vmov s6;
	v56 =	vmov s15;
	v50 =	vshrl.u32 v50, $0x3  }
0x109: {  	v51 =	vshrl.u32 v51, $0x3;
	v53 =	vshrl.u32 v53, $0x3;
	v52 =	vshrl.u32 v52, $0x3  }
0x10a: {  	v41 =	vshll.u32 v41, v9;
	v56 =	vshrl.u32 v56, $0x3;
	v50 =	vshll.u32 v50, v9  }
0x10b: {  	s0 =	sadd.s32 @p1 $0x200, s26;
	v54 =	vshrl.u32 v54, $0x3;
	v51 =	vshll.u32 v51, v9;
	v50 =	vbroadcast v50, $0x0  }
0x10c: {  	v55 =	vshrl.u32 v55, $0x3;
	s25 =	smov.u32 @p1 s0;
	v53 =	vshll.u32 v53, v9;
	v51 =	vbroadcast v51, $0x0  }
0x10d: {  	[tilespmem:v44+s22+$0x0] =	vst.idx.msk @p1 $0xffff, v42;
	v52 =	vshll.u32 v52, v9;
	v42 =	vld [tilespmem:s25+$0xFFFFFF40];
	v59 =	vbroadcast v53, $0x0;
	v44 =	vadd.s32 v34, v50  }
0x10e: {  	[tilespmem:v45+s22+$0x0] =	vst.idx.msk @p1 $0xffff, v43;
	v56 =	vshll.u32 v56, v9;
	v43 =	vld [tilespmem:s25+$0xFFFFFF80];
	v60 =	vbroadcast v52, $0x0;
	v45 =	vadd.s32 v35, v51  }
0x10f: {  	v41 =	vbroadcast v41, $0x0;
	v61 =	vshll.u32 v54, v9;
	[tilespmem:v46+s22+$0x0] =	vst.idx.msk @p1 $0xffff, v47;
	v46 =	vld [tilespmem:s25+$0xFFFFFFC0];
	v47 =	vadd.s32 v36, v59  }
0x110: {  	v63 =	vshll.u32 v55, v9;
	v56 =	vbroadcast v56, $0x0;
	[tilespmem:v49+s22+$0x0] =	vst.idx.msk @p1 $0xffff, v48;
	v48 =	vld [tilespmem:s25+$0x0];
	v58 =	vadd.s32 v37, v60  }
0x111: {  	v62 =	vbroadcast v61, $0x0;
	v41 =	vadd.s32 v33, v41;
	v59 =	vbroadcast v63, $0x0;
	v63 =	vld [tilespmem:s25+$0xFFFFFF00]  }
0x112: {  	v57 =	vld [tilespmem:s25+$0xC0];
	v56 =	vadd.s32 v40, v56;
	[tilespmem:v44+s22+$0x0] =	vst.idx.msk $0xffff, v42  }
0x113: {  	v60 =	vld [tilespmem:s25+$0x40];
	v50 =	vadd.s32 v38, v62;
	[tilespmem:v45+s22+$0x0] =	vst.idx.msk $0xffff, v43  }
0x114: {  	v61 =	vld [tilespmem:s25+$0x80];
	v62 =	vadd.s32 v39, v59;
	[tilespmem:v47+s22+$0x0] =	vst.idx.msk $0xffff, v46  }
0x115: {  	[tilespmem:v58+s22+$0x0] =	vst.idx.msk $0xffff, v48  }
0x116: {  	[tilespmem:v41+s22+$0x0] =	vst.idx.msk $0xffff, v63  }
0x117: {  	s29 =	sshll.u32 s20, $0x12;
	[tilespmem:v56+s22+$0x0] =	vst.idx.msk $0xffff, v57  }
0x118: {  	s25 =	sadd.s32 s19, s29;
	[tilespmem:v50+s22+$0x0] =	vst.idx.msk $0xffff, v60  }
0x119: {  	s0 =	sadd.s32 s1, s25;
	[tilespmem:v62+s22+$0x0] =	vst.idx.msk $0xffff, v61  }
0x11a: {  	[hbm4b:s0+s2] =	stream.linear.scatter [tilespmem:s22], [sflag:$0x3], $0x80, $0x38;
	[tilespmem:$0xB700] =	vst v63  }
0x11b: {  	s31 =	simm.s32 $0x7388;
	s30 =	sadd.s32 $0x10, s0  }
0x11c: {  	[hbm4b:s30+s2] =	stream.linear.scatter [tilespmem:s31], [sflag:$0x3], $0x80, $0x38;
	[tilespmem:$0xB700] =	vst v63  }
0x11d: {  	s17 =	simm.s32 $0x7410;
	s15 =	sadd.s32 $0x20, s0  }
0x11e: {  	[hbm4b:s15+s2] =	stream.linear.scatter [tilespmem:s17], [sflag:$0x3], $0x80, $0x38;
	[tilespmem:$0xB700] =	vst v63  }
0x11f: {  	s26 =	simm.s32 $0x7498;
	s18 =	sadd.s32 $0x30, s0  }
0x120: {  	[hbm4b:s18+s2] =	stream.linear.scatter [tilespmem:s26], [sflag:$0x3], $0x80, $0x38;
	[tilespmem:$0xB700] =	vst v63  }
0x121: {  	s29 =	simm.s32 $0x7520;
	s28 =	sadd.s32 $0x40, s0  }
0x122: {  	[hbm4b:s28+s2] =	stream.linear.scatter [tilespmem:s29], [sflag:$0x3], $0x80, $0x38;
	[tilespmem:$0xB700] =	vst v63  }
0x123: {  	s30 =	sadd.s32 $0x50, s0;
	s31 =	simm.s32 $0x75A8  }
0x124: {  	[hbm4b:s30+s2] =	stream.linear.scatter [tilespmem:s31], [sflag:$0x3], $0x80, $0x38;
	[tilespmem:$0xB700] =	vst v63  }
0x125: {  	s17 =	sadd.s32 $0x60, s0;
	s18 =	simm.s32 $0x7630  }
0x126: {  	[hbm4b:s17+s2] =	stream.linear.scatter [tilespmem:s18], [sflag:$0x3], $0x80, $0x38;
	[tilespmem:$0xB700] =	vst v63  }
0x127: {  	s0 =	sadd.s32 $0x70, s0;
	s26 =	simm.s32 $0x76B8;
	s28 =	sand.u32 $0x1FFFBF80, s25  }
0x128: {  	[hbm4b:s0+s2] =	stream.linear.scatter [tilespmem:s26], [sflag:$0x3], $0x80, $0x38;
	[tilespmem:$0xB700] =	vst v63  }
0x129: {  	s29 =	simm.s32 $0x7740;
	s0 =	sadd.s32 s28, s7  }
0x12a: {  	[hbm4b:s0+s2] =	stream.linear.scatter [tilespmem:s29], [sflag:$0x3], $0x80, $0x38;
	[tilespmem:$0xB700] =	vst v63  }
0x12b: {  	s31 =	simm.s32 $0x77C8;
	s30 =	sadd.s32 $0x10, s0  }
0x12c: {  	[hbm4b:s30+s2] =	stream.linear.scatter [tilespmem:s31], [sflag:$0x3], $0x80, $0x38;
	[tilespmem:$0xB700] =	vst v63  }
0x12d: {  	s17 =	simm.s32 $0x7850;
	s15 =	sadd.s32 $0x20, s0  }
0x12e: {  	[hbm4b:s15+s2] =	stream.linear.scatter [tilespmem:s17], [sflag:$0x3], $0x80, $0x38;
	[tilespmem:$0xB700] =	vst v63  }
0x12f: {  	s26 =	simm.s32 $0x78D8;
	s18 =	sadd.s32 $0x30, s0  }
0x130: {  	[hbm4b:s18+s2] =	stream.linear.scatter [tilespmem:s26], [sflag:$0x3], $0x80, $0x38;
	[tilespmem:$0xB700] =	vst v63  }
0x131: {  	s28 =	sadd.s32 $0x40, s0;
	s29 =	simm.s32 $0x7960  }
0x132: {  	[hbm4b:s28+s2] =	stream.linear.scatter [tilespmem:s29], [sflag:$0x3], $0x80, $0x38;
	[tilespmem:$0xB700] =	vst v63  }
0x133: {  	s30 =	sadd.s32 $0x50, s0;
	s31 =	simm.s32 $0x79E8  }
0x134: {  	[hbm4b:s30+s2] =	stream.linear.scatter [tilespmem:s31], [sflag:$0x3], $0x80, $0x38;
	[tilespmem:$0xB700] =	vst v63  }
0x135: {  	s17 =	sadd.s32 $0x60, s0;
	s18 =	simm.s32 $0x7A70  }
0x136: {  	[hbm4b:s17+s2] =	stream.linear.scatter [tilespmem:s18], [sflag:$0x3], $0x80, $0x38;
	[tilespmem:$0xB700] =	vst v63  }
0x137: {  	s0 =	sadd.s32 $0x70, s0;
	s26 =	simm.s32 $0x7AF8;
	s28 =	sand.u32 $0x1FFF7F80, s25  }
0x138: {  	[hbm4b:s0+s2] =	stream.linear.scatter [tilespmem:s26], [sflag:$0x3], $0x80, $0x38;
	[tilespmem:$0xB700] =	vst v63  }
0x139: {  	s29 =	simm.s32 $0x7B80;
	s0 =	sadd.s32 s28, s8  }
0x13a: {  	[hbm4b:s0+s2] =	stream.linear.scatter [tilespmem:s29], [sflag:$0x3], $0x80, $0x38;
	[tilespmem:$0xB700] =	vst v63  }
0x13b: {  	s31 =	simm.s32 $0x7C08;
	s30 =	sadd.s32 $0x10, s0  }
0x13c: {  	[hbm4b:s30+s2] =	stream.linear.scatter [tilespmem:s31], [sflag:$0x3], $0x80, $0x38;
	[tilespmem:$0xB700] =	vst v63  }
0x13d: {  	s17 =	simm.s32 $0x7C90;
	s15 =	sadd.s32 $0x20, s0  }
0x13e: {  	[hbm4b:s15+s2] =	stream.linear.scatter [tilespmem:s17], [sflag:$0x3], $0x80, $0x38;
	[tilespmem:$0xB700] =	vst v63  }
0x13f: {  	s26 =	simm.s32 $0x7D18;
	s18 =	sadd.s32 $0x30, s0  }
0x140: {  	[hbm4b:s18+s2] =	stream.linear.scatter [tilespmem:s26], [sflag:$0x3], $0x80, $0x38;
	[tilespmem:$0xB700] =	vst v63  }
0x141: {  	s28 =	sadd.s32 $0x40, s0;
	s29 =	simm.s32 $0x7DA0  }
0x142: {  	[hbm4b:s28+s2] =	stream.linear.scatter [tilespmem:s29], [sflag:$0x3], $0x80, $0x38;
	[tilespmem:$0xB700] =	vst v63  }
0x143: {  	s30 =	sadd.s32 $0x50, s0;
	s31 =	simm.s32 $0x7E28  }
0x144: {  	[hbm4b:s30+s2] =	stream.linear.scatter [tilespmem:s31], [sflag:$0x3], $0x80, $0x38;
	[tilespmem:$0xB700] =	vst v63  }
0x145: {  	s17 =	sadd.s32 $0x60, s0;
	s18 =	simm.s32 $0x7EB0  }
0x146: {  	[hbm4b:s17+s2] =	stream.linear.scatter [tilespmem:s18], [sflag:$0x3], $0x80, $0x38;
	[tilespmem:$0xB700] =	vst v63  }
0x147: {  	s0 =	sadd.s32 $0x70, s0;
	s26 =	simm.s32 $0x7F38;
	s28 =	sand.u32 $0x1FFF3F80, s25  }
0x148: {  	[hbm4b:s0+s2] =	stream.linear.scatter [tilespmem:s26], [sflag:$0x3], $0x80, $0x38;
	[tilespmem:$0xB700] =	vst v63  }
0x149: {  	s29 =	simm.s32 $0x7FC0;
	s0 =	sadd.s32 s28, s9  }
0x14a: {  	[hbm4b:s0+s2] =	stream.linear.scatter [tilespmem:s29], [sflag:$0x3], $0x80, $0x38;
	[tilespmem:$0xB700] =	vst v63  }
0x14b: {  	s31 =	simm.s32 $0x8048;
	s30 =	sadd.s32 $0x10, s0  }
0x14c: {  	[hbm4b:s30+s2] =	stream.linear.scatter [tilespmem:s31], [sflag:$0x3], $0x80, $0x38;
	[tilespmem:$0xB700] =	vst v63  }
0x14d: {  	s17 =	simm.s32 $0x80D0;
	s15 =	sadd.s32 $0x20, s0  }
0x14e: {  	[hbm4b:s15+s2] =	stream.linear.scatter [tilespmem:s17], [sflag:$0x3], $0x80, $0x38;
	[tilespmem:$0xB700] =	vst v63  }
0x14f: {  	s26 =	simm.s32 $0x8158;
	s18 =	sadd.s32 $0x30, s0  }
0x150: {  	[hbm4b:s18+s2] =	stream.linear.scatter [tilespmem:s26], [sflag:$0x3], $0x80, $0x38;
	[tilespmem:$0xB700] =	vst v63  }
0x151: {  	s28 =	sadd.s32 $0x40, s0;
	s29 =	simm.s32 $0x81E0  }
0x152: {  	[hbm4b:s28+s2] =	stream.linear.scatter [tilespmem:s29], [sflag:$0x3], $0x80, $0x38;
	[tilespmem:$0xB700] =	vst v63  }
0x153: {  	s30 =	sadd.s32 $0x50, s0;
	s31 =	simm.s32 $0x8268  }
0x154: {  	[hbm4b:s30+s2] =	stream.linear.scatter [tilespmem:s31], [sflag:$0x3], $0x80, $0x38;
	[tilespmem:$0xB700] =	vst v63  }
0x155: {  	s17 =	sadd.s32 $0x60, s0;
	s18 =	simm.s32 $0x82F0  }
0x156: {  	[hbm4b:s17+s2] =	stream.linear.scatter [tilespmem:s18], [sflag:$0x3], $0x80, $0x38;
	[tilespmem:$0xB700] =	vst v63  }
0x157: {  	s0 =	sadd.s32 $0x70, s0;
	s26 =	simm.s32 $0x8378;
	s28 =	sand.u32 $0x1FFEFF80, s25  }
0x158: {  	[hbm4b:s0+s2] =	stream.linear.scatter [tilespmem:s26], [sflag:$0x3], $0x80, $0x38;
	[tilespmem:$0xB700] =	vst v63  }
0x159: {  	s29 =	simm.s32 $0x8400;
	s0 =	sadd.s32 s28, s10  }
0x15a: {  	[hbm4b:s0+s2] =	stream.linear.scatter [tilespmem:s29], [sflag:$0x3], $0x80, $0x38;
	[tilespmem:$0xB700] =	vst v63  }
0x15b: {  	s31 =	simm.s32 $0x8488;
	s30 =	sadd.s32 $0x10, s0  }
0x15c: {  	[hbm4b:s30+s2] =	stream.linear.scatter [tilespmem:s31], [sflag:$0x3], $0x80, $0x38;
	[tilespmem:$0xB700] =	vst v63  }
0x15d: {  	s17 =	simm.s32 $0x8510;
	s15 =	sadd.s32 $0x20, s0  }
0x15e: {  	[hbm4b:s15+s2] =	stream.linear.scatter [tilespmem:s17], [sflag:$0x3], $0x80, $0x38;
	[tilespmem:$0xB700] =	vst v63  }
0x15f: {  	s26 =	simm.s32 $0x8598;
	s18 =	sadd.s32 $0x30, s0  }
0x160: {  	[hbm4b:s18+s2] =	stream.linear.scatter [tilespmem:s26], [sflag:$0x3], $0x80, $0x38;
	[tilespmem:$0xB700] =	vst v63  }
0x161: {  	s28 =	sadd.s32 $0x40, s0;
	s29 =	simm.s32 $0x8620  }
0x162: {  	[hbm4b:s28+s2] =	stream.linear.scatter [tilespmem:s29], [sflag:$0x3], $0x80, $0x38;
	[tilespmem:$0xB700] =	vst v63  }
0x163: {  	s30 =	sadd.s32 $0x50, s0;
	s31 =	simm.s32 $0x86A8  }
0x164: {  	[hbm4b:s30+s2] =	stream.linear.scatter [tilespmem:s31], [sflag:$0x3], $0x80, $0x38;
	[tilespmem:$0xB700] =	vst v63  }
0x165: {  	s17 =	sadd.s32 $0x60, s0;
	s18 =	simm.s32 $0x8730  }
0x166: {  	[hbm4b:s17+s2] =	stream.linear.scatter [tilespmem:s18], [sflag:$0x3], $0x80, $0x38;
	[tilespmem:$0xB700] =	vst v63  }
0x167: {  	s0 =	sadd.s32 $0x70, s0;
	s26 =	simm.s32 $0x87B8;
	s28 =	sand.u32 $0x1FFEBF80, s25  }
0x168: {  	[hbm4b:s0+s2] =	stream.linear.scatter [tilespmem:s26], [sflag:$0x3], $0x80, $0x38;
	[tilespmem:$0xB700] =	vst v63  }
0x169: {  	s29 =	simm.s32 $0x8840;
	s0 =	sadd.s32 s28, s11  }
0x16a: {  	[hbm4b:s0+s2] =	stream.linear.scatter [tilespmem:s29], [sflag:$0x3], $0x80, $0x38;
	[tilespmem:$0xB700] =	vst v63  }
0x16b: {  	s31 =	simm.s32 $0x88C8;
	s30 =	sadd.s32 $0x10, s0  }
0x16c: {  	[hbm4b:s30+s2] =	stream.linear.scatter [tilespmem:s31], [sflag:$0x3], $0x80, $0x38;
	[tilespmem:$0xB700] =	vst v63  }
0x16d: {  	s17 =	simm.s32 $0x8950;
	s15 =	sadd.s32 $0x20, s0  }
0x16e: {  	[hbm4b:s15+s2] =	stream.linear.scatter [tilespmem:s17], [sflag:$0x3], $0x80, $0x38;
	[tilespmem:$0xB700] =	vst v63  }
0x16f: {  	s26 =	simm.s32 $0x89D8;
	s18 =	sadd.s32 $0x30, s0  }
0x170: {  	[hbm4b:s18+s2] =	stream.linear.scatter [tilespmem:s26], [sflag:$0x3], $0x80, $0x38;
	[tilespmem:$0xB700] =	vst v63  }
0x171: {  	s28 =	sadd.s32 $0x40, s0;
	s29 =	simm.s32 $0x8A60  }
0x172: {  	[hbm4b:s28+s2] =	stream.linear.scatter [tilespmem:s29], [sflag:$0x3], $0x80, $0x38;
	[tilespmem:$0xB700] =	vst v63  }
0x173: {  	s30 =	sadd.s32 $0x50, s0;
	s31 =	simm.s32 $0x8AE8  }
0x174: {  	[hbm4b:s30+s2] =	stream.linear.scatter [tilespmem:s31], [sflag:$0x3], $0x80, $0x38;
	[tilespmem:$0xB700] =	vst v63  }
0x175: {  	s17 =	sadd.s32 $0x60, s0;
	s18 =	simm.s32 $0x8B70  }
0x176: {  	[hbm4b:s17+s2] =	stream.linear.scatter [tilespmem:s18], [sflag:$0x3], $0x80, $0x38;
	[tilespmem:$0xB700] =	vst v63  }
0x177: {  	s0 =	sadd.s32 $0x70, s0;
	s26 =	simm.s32 $0x8BF8;
	s28 =	sand.u32 $0x1FFE7F80, s25  }
0x178: {  	[hbm4b:s0+s2] =	stream.linear.scatter [tilespmem:s26], [sflag:$0x3], $0x80, $0x38;
	[tilespmem:$0xB700] =	vst v63  }
0x179: {  	s29 =	simm.s32 $0x8C80;
	s0 =	sadd.s32 s28, s12  }
0x17a: {  	[hbm4b:s0+s2] =	stream.linear.scatter [tilespmem:s29], [sflag:$0x3], $0x80, $0x38;
	[tilespmem:$0xB700] =	vst v63  }
0x17b: {  	s31 =	simm.s32 $0x8D08;
	s30 =	sadd.s32 $0x10, s0  }
0x17c: {  	[hbm4b:s30+s2] =	stream.linear.scatter [tilespmem:s31], [sflag:$0x3], $0x80, $0x38;
	[tilespmem:$0xB700] =	vst v63  }
0x17d: {  	s17 =	simm.s32 $0x8D90;
	s15 =	sadd.s32 $0x20, s0  }
0x17e: {  	[hbm4b:s15+s2] =	stream.linear.scatter [tilespmem:s17], [sflag:$0x3], $0x80, $0x38;
	[tilespmem:$0xB700] =	vst v63  }
0x17f: {  	s26 =	simm.s32 $0x8E18;
	s18 =	sadd.s32 $0x30, s0  }
0x180: {  	[hbm4b:s18+s2] =	stream.linear.scatter [tilespmem:s26], [sflag:$0x3], $0x80, $0x38;
	[tilespmem:$0xB700] =	vst v63  }
0x181: {  	s28 =	sadd.s32 $0x40, s0;
	s29 =	simm.s32 $0x8EA0  }
0x182: {  	[hbm4b:s28+s2] =	stream.linear.scatter [tilespmem:s29], [sflag:$0x3], $0x80, $0x38;
	[tilespmem:$0xB700] =	vst v63  }
0x183: {  	s30 =	sadd.s32 $0x50, s0;
	s31 =	simm.s32 $0x8F28  }
0x184: {  	[hbm4b:s30+s2] =	stream.linear.scatter [tilespmem:s31], [sflag:$0x3], $0x80, $0x38;
	[tilespmem:$0xB700] =	vst v63  }
0x185: {  	s15 =	sadd.s32 $0x60, s0;
	s17 =	simm.s32 $0x8FB0  }
0x186: {  	[hbm4b:s15+s2] =	stream.linear.scatter [tilespmem:s17], [sflag:$0x3], $0x80, $0x38;
	[tilespmem:$0xB700] =	vst v63  }
0x187: {  	s25 =	sand.u32 $0x1FFE3F80, s25;
	s0 =	sadd.s32 $0x70, s0;
	s18 =	simm.s32 $0x9038  }
0x188: {  	[hbm4b:s0+s2] =	stream.linear.scatter [tilespmem:s18], [sflag:$0x3], $0x80, $0x38;
	[tilespmem:$0xB700] =	vst v63  }
0x189: {  	s26 =	simm.s32 $0x90C0;
	s0 =	sadd.s32 s25, s13  }
0x18a: {  	[hbm4b:s0+s2] =	stream.linear.scatter [tilespmem:s26], [sflag:$0x3], $0x80, $0x38;
	[tilespmem:$0xB700] =	vst v63  }
0x18b: {  	s29 =	simm.s32 $0x9148;
	s28 =	sadd.s32 $0x10, s0  }
0x18c: {  	[hbm4b:s28+s2] =	stream.linear.scatter [tilespmem:s29], [sflag:$0x3], $0x80, $0x38;
	[tilespmem:$0xB700] =	vst v63  }
0x18d: {  	s31 =	simm.s32 $0x91D0;
	s30 =	sadd.s32 $0x20, s0  }
0x18e: {  	[hbm4b:s30+s2] =	stream.linear.scatter [tilespmem:s31], [sflag:$0x3], $0x80, $0x38;
	[tilespmem:$0xB700] =	vst v63  }
0x18f: {  	s17 =	simm.s32 $0x9258;
	s15 =	sadd.s32 $0x30, s0  }
0x190: {  	[hbm4b:s15+s2] =	stream.linear.scatter [tilespmem:s17], [sflag:$0x3], $0x80, $0x38;
	[tilespmem:$0xB700] =	vst v63  }
0x191: {  	s25 =	simm.s32 $0x92E0;
	s18 =	sadd.s32 $0x40, s0  }
0x192: {  	[hbm4b:s18+s2] =	stream.linear.scatter [tilespmem:s25], [sflag:$0x3], $0x80, $0x38;
	[tilespmem:$0xB700] =	vst v63  }
0x193: {  	p1 =	sne.s32 s20, $0x31;
	s26 =	sadd.s32 $0x50, s0;
	s28 =	simm.s32 $0x9368  }
0x194: {  	[hbm4b:s26+s2] =	stream.linear.scatter [tilespmem:s28], [sflag:$0x3], $0x80, $0x38;
	[tilespmem:$0xB700] =	vst v63  }
.Ltmp14:
0x195: {  	_ = 	snop;
	(pc) =	sbr.rel @p1 .LBB2_21-.Ltmp14, $4  }
0x196: {  	s29 =	sadd.s32 $0x60, s0;
	s30 =	simm.s32 $0x93F0  }
0x197: {  	[hbm4b:s29+s2] =	stream.linear.scatter [tilespmem:s30], [sflag:$0x3], $0x80, $0x38;
	[tilespmem:$0xB700] =	vst v63  }
0x198: {  	s0 =	sadd.s32 $0x70, s0;
	s31 =	simm.s32 $0x9478  }
0x199: {  	[hbm4b:s0+s2] =	stream.linear.scatter [tilespmem:s31], [sflag:$0x3], $0x80, $0x38;
	[tilespmem:$0xB700] =	vst v63  }
.Ltmp15:
0x19a: {  	(pc) =	sbr.rel .LBB2_22-.Ltmp15, $4  }
0x19b: {  	_ = 	snop  }
0x19c: {  	_ =	swait.ge [sflag:s3], $0x2000  }
0x19d: {  	[sflag:s3] =	ssyncset.done $0x0  }
0x19e: {  	[sflag:s3] =	ssyncadd.s32 $0xFFFFE000  }
.LBB2_21:
0x19f: {  	s0 =	sadd.s32 $0x2, s24  }
0x1a0: {  	v41 =	vadd.s32 s0, v0;
	_ =	sdelay $0x4  }
0x1a1: {  	s17 =	sadd.s32 $0x642, s24;
	v41 =	vld.idx.msk [tilespmem:v41+s2+$0x0], $0xffff  }
0x1a2: {  	v42 =	vadd.s32 s17, v0;
	_ =	sdelay $0x3  }
0x1a3: {  	[tilespmem:$0x3200] =	vst v41  }
0x1a4: {  	s18 =	sadd.s32 $0xC82, s24;
	v41 =	vld.idx.msk [tilespmem:v42+s2+$0x0], $0xffff  }
0x1a5: {  	v58 =	vadd.s32 s18, v0;
	_ =	sdelay $0x3  }
0x1a6: {  	[tilespmem:$0x3210] =	vst v41  }
0x1a7: {  	s25 =	sadd.s32 $0x12C2, s24;
	v41 =	vld.idx.msk [tilespmem:v58+s2+$0x0], $0xffff  }
0x1a8: {  	v59 =	vadd.s32 s25, v0;
	_ =	sdelay $0x3  }
0x1a9: {  	[tilespmem:$0x3220] =	vst v41  }
0x1aa: {  	s26 =	sadd.s32 $0x1902, s24;
	v41 =	vld.idx.msk [tilespmem:v59+s2+$0x0], $0xffff  }
0x1ab: {  	v60 =	vadd.s32 s26, v0;
	_ =	sdelay $0x3  }
0x1ac: {  	[tilespmem:$0x3230] =	vst v41  }
0x1ad: {  	s28 =	sadd.s32 $0x1F42, s24;
	v41 =	vld.idx.msk [tilespmem:v60+s2+$0x0], $0xffff  }
0x1ae: {  	v61 =	vadd.s32 s28, v0;
	_ =	sdelay $0x3  }
0x1af: {  	[tilespmem:$0x3240] =	vst v41  }
0x1b0: {  	s29 =	sadd.s32 $0x2582, s24;
	v41 =	vld.idx.msk [tilespmem:v61+s2+$0x0], $0xffff  }
0x1b1: {  	v62 =	vadd.s32 s29, v0;
	_ =	sdelay $0x3  }
0x1b2: {  	[tilespmem:$0x3250] =	vst v41  }
0x1b3: {  	s30 =	sadd.s32 $0x2BC2, s24;
	v41 =	vld.idx.msk [tilespmem:v62+s2+$0x0], $0xffff  }
0x1b4: {  	v63 =	vadd.s32 s30, v0;
	_ =	sdelay $0x3  }
0x1b5: {  	[tilespmem:$0x3260] =	vst v41  }
0x1b6: {  	v41 =	vld.idx.msk [tilespmem:v63+s2+$0x0], $0xffff;
	_ =	sdelay $0x4  }
.Ltmp16:
0x1b7: {  	s31 =	simm.s32 $0x3200;
	s6 =	simm.s32 $0x3300;
	[tilespmem:$0x3270] =	vst v41;
	(pc) =	sbr.rel @p0 .LBB2_23-.Ltmp16, $4  }
0x1b8: {  	[tilespmem:s6], [sflag:$0x1] =	stream.indirect.gather [hbm4b:s4+s16], $0x40, s31, s16, $0xb8;
	[tilespmem:$0xB700] =	vst v63  }
0x1b9: {  	_ =	swait.ge [sflag:s3], $0x2000  }
0x1ba: {  	[sflag:s3] =	ssyncset.done $0x0  }
0x1bb: {  	[sflag:s3] =	ssyncadd.s32 $0xFFFFE000  }
.LBB2_22:
0x1bc: {  	_ =	swait.ge [sflag:s14], $0x2000  }
0x1bd: {  	[sflag:s14] =	ssyncset.done $0x0  }
0x1be: {  	[sflag:s14] =	ssyncadd.s32 $0xFFFFE000  }
.LBB2_23:
0x1bf: {  	s0 =	simm.s32 $0x0;
	s24 =	simm.s32 $0x1;
	s6 =	simm.s32 $0x2  }
0x1c0: {  	s15 =	simm.s32 $0x3;
	s25 =	simm.s32 $0x4;
	s17 =	simm.s32 $0x5;
	v41 =	vmov s0;
	v58 =	vmov s24;
	v42 =	vmov s6  }
0x1c1: {  	s26 =	simm.s32 $0x7;
	s30 =	simm.s32 $0x6;
	v43 =	vmov s15;
	v44 =	vmov s25;
	v45 =	vmov s17  }
0x1c2: {  	v47 =	vmov s26;
	v48 =	vmov s30;
	v46 =	vshrl.u32 v41, $0x3  }
0x1c3: {  	v41 =	vshrl.u32 v58, $0x3;
	v47 =	vshrl.u32 v47, $0x3;
	v49 =	vshrl.u32 v42, $0x3  }
0x1c4: {  	v50 =	vshrl.u32 v43, $0x3;
	v60 =	vshrl.u32 v44, $0x3;
	v59 =	vshll.u32 v47, v9  }
0x1c5: {  	v51 =	vshrl.u32 v45, $0x3;
	v61 =	vshll.u32 v41, v9;
	v41 =	vbroadcast v59, $0x0  }
0x1c6: {  	s29 =	simm.s32 $0x5400;
	v58 =	vshrl.u32 v48, $0x3;
	v62 =	vshll.u32 v49, v9;
	v42 =	vbroadcast v61, $0x0  }
0x1c7: {  	v63 =	vshll.u32 v50, v9;
	v49 =	vld [tilespmem:s29+$0xC0];
	v43 =	vbroadcast v62, $0x0;
	v50 =	vadd.s32 v16, v41  }
0x1c8: {  	v55 =	vld [tilespmem:s29+$0xFFFFFF40];
	v57 =	vshll.u32 v60, v9;
	v44 =	vbroadcast v63, $0x0;
	v56 =	vadd.s32 v10, v42  }
0x1c9: {  	v60 =	vld [tilespmem:s29+$0xFFFFFF80];
	v45 =	vbroadcast v57, $0x0;
	v59 =	vshll.u32 v51, v9;
	v61 =	vadd.s32 v11, v43  }
0x1ca: {  	v52 =	vshll.u32 v58, v9;
	v63 =	vld [tilespmem:s29+$0xFFFFFFC0];
	v47 =	vbroadcast v59, $0x0;
	v1 =	vadd.s32 v12, v44  }
0x1cb: {  	v46 =	vshll.u32 v46, v9;
	v51 =	vld [tilespmem:s29+$0x0];
	v48 =	vbroadcast v52, $0x0;
	v54 =	vadd.s32 v13, v45  }
0x1cc: {  	s24 =	simm.s32 $0xA;
	v46 =	vbroadcast v46, $0x0;
	v52 =	vld [tilespmem:s29+$0x40];
	v53 =	vadd.s32 v14, v47;
	[tilespmem:v50+s5+$0x0] =	vst.idx.msk $0xffff, v49  }
0x1cd: {  	s31 =	simm.s32 $0x8;
	s25 =	simm.s32 $0x9;
	v62 =	vmov s24;
	[tilespmem:v56+s5+$0x0] =	vst.idx.msk $0xffff, v55;
	v55 =	vld [tilespmem:s29+$0x80];
	v56 =	vadd.s32 v15, v48  }
0x1ce: {  	s28 =	simm.s32 $0xC;
	s26 =	simm.s32 $0xB;
	s6 =	simm.s32 $0xD;
	v57 =	vld [tilespmem:s29+$0xFFFFFF00];
	v59 =	vmov s25;
	v58 =	vadd.s32 v6, v46;
	v49 =	vmov s31;
	[tilespmem:v61+s5+$0x0] =	vst.idx.msk $0xffff, v60  }
0x1cf: {  	s15 =	simm.s32 $0xE;
	s17 =	simm.s32 $0xF;
	s0 =	simm.s32 $0x10;
	v60 =	vmov s26;
	v61 =	vmov s28;
	[tilespmem:v1+s5+$0x0] =	vst.idx.msk $0xffff, v63;
	v50 =	vshrl.u32 v49, $0x3  }
.LBB2_24:
0x1d0: {  	p0 =	slt.u32 s0, $0x78;
	v1 =	vmov s6;
	v63 =	vmov s15;
	v2 =	vmov s17;
	[tilespmem:v54+s5+$0x0] =	vst.idx.msk $0xffff, v51  }
0x1d1: {  	v51 =	vshrl.u32 v59, $0x3;
	v54 =	vshrl.u32 v62, $0x3;
	v2 =	vshrl.u32 v2, $0x3;
	[tilespmem:v53+s5+$0x0] =	vst.idx.msk $0xffff, v52  }
0x1d2: {  	v52 =	vshrl.u32 v60, $0x3;
	v53 =	vshrl.u32 v61, $0x3;
	v2 =	vshll.u32 v2, v9;
	[tilespmem:v56+s5+$0x0] =	vst.idx.msk $0xffff, v55  }
0x1d3: {  	v51 =	vshll.u32 v51, v9;
	v1 =	vshrl.u32 v1, $0x3;
	v2 =	vbroadcast v2, $0x0;
	[tilespmem:v58+s5+$0x0] =	vst.idx.msk $0xffff, v57  }
0x1d4: {  	s29 =	sadd.s32 $0x200, s29;
	v54 =	vshll.u32 v54, v9;
	v51 =	vbroadcast v51, $0x0;
	v55 =	vshrl.u32 v63, $0x3  }
0x1d5: {  	v54 =	vbroadcast v54, $0x0;
	v52 =	vshll.u32 v52, v9;
	v56 =	vld [tilespmem:s29+$0xC0];
	v2 =	vadd.s32 v16, v2  }
0x1d6: {  	v58 =	vadd.s32 v10, v51;
	v51 =	vbroadcast v52, $0x0;
	v52 =	vshll.u32 v53, v9;
	v57 =	vld [tilespmem:s29+$0xFFFFFF40]  }
0x1d7: {  	v1 =	vshll.u32 v1, v9;
	v61 =	vadd.s32 v11, v54;
	v52 =	vbroadcast v52, $0x0;
	v60 =	vld [tilespmem:s29+$0xFFFFFF80]  }
0x1d8: {  	v1 =	vbroadcast v1, $0x0;
	v53 =	vshll.u32 v55, v9;
	v3 =	vadd.s32 v12, v51;
	v63 =	vld [tilespmem:s29+$0xFFFFFFC0]  }
.Ltmp17:
0x1d9: {  	v50 =	vshll.u32 v50, v9;
	v59 =	vbroadcast v53, $0x0;
	v54 =	vadd.s32 v13, v52;
	v51 =	vld [tilespmem:s29+$0x0];
	(pc) =	sbr.rel @p0 .LBB2_24-.Ltmp17, $4  }
0x1da: {  	v62 =	vbroadcast v50, $0x0;
	v53 =	vadd.s32 v14, v1;
	v52 =	vld [tilespmem:s29+$0x40];
	[tilespmem:v2+s5+$0x0] =	vst.idx.msk $0xffff, v56  }
0x1db: {  	s6 =	sadd.s32 $0x1, s0;
	s15 =	sadd.s32 $0x2, s0;
	v1 =	vmov s0;
	v56 =	vadd.s32 v15, v59;
	[tilespmem:v58+s5+$0x0] =	vst.idx.msk $0xffff, v57;
	v55 =	vld [tilespmem:s29+$0x80]  }
0x1dc: {  	s17 =	sadd.s32 $0x3, s0;
	s18 =	sadd.s32 $0x4, s0;
	v50 =	vshrl.u32 v1, $0x3;
	v59 =	vmov s6;
	s6 =	sadd.s32 $0x5, s0;
	v58 =	vadd.s32 v6, v62;
	v57 =	vld [tilespmem:s29+$0xFFFFFF00];
	[tilespmem:v61+s5+$0x0] =	vst.idx.msk $0xffff, v60  }
0x1dd: {  	v62 =	vmov s15;
	s15 =	sadd.s32 $0x6, s0;
	v60 =	vmov s17;
	v61 =	vmov s18;
	s17 =	sadd.s32 $0x7, s0;
	s0 =	sadd.s32 $0x8, s0;
	[tilespmem:v3+s5+$0x0] =	vst.idx.msk $0xffff, v63  }
0x1de: {  	v1 =	vmov s6;
	v2 =	vmov s15;
	v3 =	vmov s17  }
0x1df: {  	v59 =	vshrl.u32 v59, $0x3;
	v62 =	vshrl.u32 v62, $0x3;
	v60 =	vshrl.u32 v60, $0x3  }
0x1e0: {  	v61 =	vshrl.u32 v61, $0x3;
	v50 =	vshll.u32 v50, v9;
	v59 =	vshll.u32 v59, v9  }
0x1e1: {  	v3 =	vshrl.u32 v3, $0x3;
	v62 =	vshll.u32 v62, v9;
	v59 =	vbroadcast v59, $0x0  }
0x1e2: {  	s0 =	sadd.s32 $0x200, s29;
	v1 =	vshrl.u32 v1, $0x3;
	v3 =	vshll.u32 v3, v9;
	v62 =	vbroadcast v62, $0x0  }
0x1e3: {  	[tilespmem:v54+s5+$0x0] =	vst.idx.msk $0xffff, v51;
	v51 =	vld [tilespmem:s0+$0xFFFFFF40];
	v1 =	vshll.u32 v1, v9;
	v3 =	vbroadcast v3, $0x0;
	v54 =	vadd.s32 v10, v59  }
0x1e4: {  	v60 =	vshll.u32 v60, v9;
	[tilespmem:v53+s5+$0x0] =	vst.idx.msk $0xffff, v52;
	v52 =	vld [tilespmem:s0+$0xFFFFFF80];
	v1 =	vbroadcast v1, $0x0;
	v53 =	vadd.s32 v11, v62  }
0x1e5: {  	v63 =	vld [tilespmem:s0+$0xC0];
	v59 =	vbroadcast v60, $0x0;
	v60 =	vshll.u32 v61, v9;
	v3 =	vadd.s32 v16, v3  }
0x1e6: {  	v2 =	vshrl.u32 v2, $0x3;
	[tilespmem:v56+s5+$0x0] =	vst.idx.msk $0xffff, v55;
	v62 =	vld [tilespmem:s0+$0x40];
	v60 =	vbroadcast v60, $0x0;
	v1 =	vadd.s32 v14, v1  }
0x1e7: {  	v50 =	vbroadcast v50, $0x0;
	v55 =	vld [tilespmem:s0+$0xFFFFFFC0];
	v2 =	vshll.u32 v2, v9;
	[tilespmem:v58+s5+$0x0] =	vst.idx.msk $0xffff, v57;
	v56 =	vadd.s32 v12, v59  }
0x1e8: {  	v57 =	vld [tilespmem:s0+$0x0];
	v2 =	vbroadcast v2, $0x0;
	v61 =	vadd.s32 v13, v60;
	[tilespmem:v54+s5+$0x0] =	vst.idx.msk $0xffff, v51  }
0x1e9: {  	v50 =	vadd.s32 v6, v50;
	v60 =	vld [tilespmem:s0+$0xFFFFFF00];
	[tilespmem:v53+s5+$0x0] =	vst.idx.msk $0xffff, v52  }
0x1ea: {  	v2 =	vadd.s32 v15, v2;
	[tilespmem:v3+s5+$0x0] =	vst.idx.msk $0xffff, v63;
	v3 =	vld [tilespmem:s0+$0x80]  }
0x1eb: {  	[tilespmem:v1+s5+$0x0] =	vst.idx.msk $0xffff, v62  }
0x1ec: {  	[tilespmem:v56+s5+$0x0] =	vst.idx.msk $0xffff, v55  }
0x1ed: {  	[tilespmem:v61+s5+$0x0] =	vst.idx.msk $0xffff, v57  }
0x1ee: {  	[tilespmem:v50+s5+$0x0] =	vst.idx.msk $0xffff, v60  }
0x1ef: {  	s29 =	simm.s32 $0x5410;
	[tilespmem:v2+s5+$0x0] =	vst.idx.msk $0xffff, v3  }
0x1f0: {  	v2 =	vadd.s32 v24, v41;
	v1 =	vld [tilespmem:s29+$0xC0]  }
0x1f1: {  	v61 =	vadd.s32 v18, v42;
	v3 =	vld [tilespmem:s29+$0xFFFFFF40]  }
0x1f2: {  	v62 =	vadd.s32 v19, v43;
	v51 =	vld [tilespmem:s29+$0xFFFFFF80]  }
0x1f3: {  	v63 =	vadd.s32 v20, v44;
	v54 =	vld [tilespmem:s29+$0xFFFFFFC0]  }
0x1f4: {  	v50 =	vadd.s32 v21, v45;
	v44 =	vld [tilespmem:s29+$0x0]  }
0x1f5: {  	v45 =	vadd.s32 v22, v47;
	v42 =	vld [tilespmem:s29+$0x40];
	[tilespmem:v2+s5+$0x0] =	vst.idx.msk $0xffff, v1  }
0x1f6: {  	v47 =	vadd.s32 v23, v48;
	v43 =	vld [tilespmem:s29+$0x80];
	[tilespmem:v61+s5+$0x0] =	vst.idx.msk $0xffff, v3  }
0x1f7: {  	s6 =	simm.s32 $0xD;
	v46 =	vadd.s32 v17, v46;
	v53 =	vmov s24;
	v52 =	vmov s28;
	v48 =	vld [tilespmem:s29+$0xFFFFFF00];
	[tilespmem:v62+s5+$0x0] =	vst.idx.msk $0xffff, v51  }
0x1f8: {  	s15 =	simm.s32 $0xE;
	s17 =	simm.s32 $0xF;
	s0 =	simm.s32 $0x10;
	v41 =	vshrl.u32 v49, $0x3;
	v49 =	vmov s25;
	v51 =	vmov s26;
	[tilespmem:v63+s5+$0x0] =	vst.idx.msk $0xffff, v54  }
.LBB2_26:
0x1f9: {  	p0 =	slt.u32 s0, $0x78;
	v1 =	vmov s6;
	v2 =	vmov s15;
	v3 =	vmov s17;
	[tilespmem:v50+s5+$0x0] =	vst.idx.msk $0xffff, v44  }
0x1fa: {  	v44 =	vshrl.u32 v49, $0x3;
	v49 =	vshrl.u32 v53, $0x3;
	v3 =	vshrl.u32 v3, $0x3;
	[tilespmem:v45+s5+$0x0] =	vst.idx.msk $0xffff, v42  }
0x1fb: {  	v42 =	vshrl.u32 v51, $0x3;
	v45 =	vshrl.u32 v52, $0x3;
	v3 =	vshll.u32 v3, v9;
	[tilespmem:v47+s5+$0x0] =	vst.idx.msk $0xffff, v43  }
0x1fc: {  	v1 =	vshrl.u32 v1, $0x3;
	v43 =	vshll.u32 v44, v9;
	v3 =	vbroadcast v3, $0x0;
	[tilespmem:v46+s5+$0x0] =	vst.idx.msk $0xffff, v48  }
0x1fd: {  	s29 =	sadd.s32 $0x200, s29;
	v2 =	vshrl.u32 v2, $0x3;
	v44 =	vshll.u32 v49, v9;
	v43 =	vbroadcast v43, $0x0  }
0x1fe: {  	v42 =	vshll.u32 v42, v9;
	v44 =	vbroadcast v44, $0x0;
	v46 =	vld [tilespmem:s29+$0xC0];
	v3 =	vadd.s32 v24, v3  }
0x1ff: {  	v45 =	vshll.u32 v45, v9;
	v42 =	vbroadcast v42, $0x0;
	v43 =	vadd.s32 v18, v43;
	v47 =	vld [tilespmem:s29+$0xFFFFFF40]  }
0x200: {  	v1 =	vshll.u32 v1, v9;
	v45 =	vbroadcast v45, $0x0;
	v52 =	vadd.s32 v19, v44;
	v51 =	vld [tilespmem:s29+$0xFFFFFF80]  }
0x201: {  	v2 =	vshll.u32 v2, v9;
	v1 =	vbroadcast v1, $0x0;
	v55 =	vadd.s32 v20, v42;
	v54 =	vld [tilespmem:s29+$0xFFFFFFC0]  }
.Ltmp18:
0x202: {  	v41 =	vshll.u32 v41, v9;
	v2 =	vbroadcast v2, $0x0;
	v50 =	vadd.s32 v21, v45;
	v44 =	vld [tilespmem:s29+$0x0];
	(pc) =	sbr.rel @p0 .LBB2_26-.Ltmp18, $4  }
0x203: {  	v53 =	vbroadcast v41, $0x0;
	v45 =	vadd.s32 v22, v1;
	v42 =	vld [tilespmem:s29+$0x40];
	[tilespmem:v3+s5+$0x0] =	vst.idx.msk $0xffff, v46  }
0x204: {  	s6 =	sadd.s32 $0x1, s0;
	s15 =	sadd.s32 $0x2, s0;
	v1 =	vmov s0;
	[tilespmem:v43+s5+$0x0] =	vst.idx.msk $0xffff, v47;
	v43 =	vld [tilespmem:s29+$0x80];
	v47 =	vadd.s32 v23, v2  }
0x205: {  	s17 =	sadd.s32 $0x3, s0;
	s18 =	sadd.s32 $0x4, s0;
	v49 =	vmov s6;
	s6 =	sadd.s32 $0x5, s0;
	v41 =	vshrl.u32 v1, $0x3;
	v46 =	vadd.s32 v17, v53;
	v48 =	vld [tilespmem:s29+$0xFFFFFF00];
	[tilespmem:v52+s5+$0x0] =	vst.idx.msk $0xffff, v51  }
0x206: {  	v53 =	vmov s15;
	s15 =	sadd.s32 $0x6, s0;
	v51 =	vmov s17;
	v52 =	vmov s18;
	s17 =	sadd.s32 $0x7, s0;
	s0 =	sadd.s32 $0x8, s0;
	[tilespmem:v55+s5+$0x0] =	vst.idx.msk $0xffff, v54  }
0x207: {  	v1 =	vmov s6;
	v2 =	vmov s15;
	v3 =	vmov s17  }
0x208: {  	v49 =	vshrl.u32 v49, $0x3;
	v53 =	vshrl.u32 v53, $0x3;
	v51 =	vshrl.u32 v51, $0x3  }
0x209: {  	v52 =	vshrl.u32 v52, $0x3;
	v41 =	vshll.u32 v41, v9;
	v49 =	vshll.u32 v49, v9  }
0x20a: {  	v3 =	vshrl.u32 v3, $0x3;
	v53 =	vshll.u32 v53, v9;
	v49 =	vbroadcast v49, $0x0  }
0x20b: {  	s0 =	sadd.s32 $0x200, s29;
	v1 =	vshrl.u32 v1, $0x3;
	v3 =	vshll.u32 v3, v9;
	v53 =	vbroadcast v53, $0x0  }
0x20c: {  	[tilespmem:v50+s5+$0x0] =	vst.idx.msk $0xffff, v44;
	v51 =	vshll.u32 v51, v9;
	v44 =	vld [tilespmem:s0+$0xFFFFFF40];
	v3 =	vbroadcast v3, $0x0;
	v49 =	vadd.s32 v18, v49  }
0x20d: {  	v62 =	vshll.u32 v52, v9;
	v63 =	vld [tilespmem:s0+$0xFFFFFF80];
	v61 =	vbroadcast v51, $0x0;
	v55 =	vadd.s32 v19, v53  }
0x20e: {  	v2 =	vshrl.u32 v2, $0x3;
	v54 =	vld [tilespmem:s0+$0xC0];
	[tilespmem:v45+s5+$0x0] =	vst.idx.msk $0xffff, v42;
	v51 =	vbroadcast v62, $0x0;
	v3 =	vadd.s32 v24, v3  }
0x20f: {  	v56 =	vld [tilespmem:s0+$0xFFFFFFC0];
	v41 =	vbroadcast v41, $0x0;
	v1 =	vshll.u32 v1, v9;
	[tilespmem:v47+s5+$0x0] =	vst.idx.msk $0xffff, v43;
	v57 =	vadd.s32 v20, v61  }
0x210: {  	v58 =	vld [tilespmem:s0+$0x0];
	v2 =	vshll.u32 v2, v9;
	v1 =	vbroadcast v1, $0x0;
	[tilespmem:v46+s5+$0x0] =	vst.idx.msk $0xffff, v48;
	v59 =	vadd.s32 v21, v51  }
0x211: {  	v2 =	vbroadcast v2, $0x0;
	v62 =	vadd.s32 v17, v41;
	v61 =	vld [tilespmem:s0+$0xFFFFFF00];
	[tilespmem:v49+s5+$0x0] =	vst.idx.msk $0xffff, v44  }
0x212: {  	v60 =	vld [tilespmem:s0+$0x40];
	v1 =	vadd.s32 v22, v1;
	[tilespmem:v55+s5+$0x0] =	vst.idx.msk $0xffff, v63  }
0x213: {  	s31 =	simm.s32 $0x0;
	s29 =	simm.s32 $0x5420;
	p1 =	por $0x1, $0x1;
	v2 =	vadd.s32 v23, v2;
	[tilespmem:v3+s5+$0x0] =	vst.idx.msk $0xffff, v54;
	v3 =	vld [tilespmem:s0+$0x80]  }
.Ltmp19:
0x214: {  	s15 =	simm.s32 $0x1;
	s17 =	simm.s32 $0x2;
	[tilespmem:v57+s5+$0x0] =	vst.idx.msk $0xffff, v56;
	(pc) =	sbr.rel @!p1 .LBB2_31-.Ltmp19, $4  }
0x215: {  	s18 =	simm.s32 $0x3;
	s24 =	simm.s32 $0x5;
	s26 =	simm.s32 $0x6;
	[tilespmem:v59+s5+$0x0] =	vst.idx.msk $0xffff, v58  }
0x216: {  	s28 =	simm.s32 $0x7;
	s25 =	simm.s32 $0x8;
	v42 =	vmov s15;
	v45 =	vmov s18;
	v63 =	vmov s31;
	s31 =	simm.s32 $0x4;
	[tilespmem:v62+s5+$0x0] =	vst.idx.msk $0xffff, v61  }
0x217: {  	p0 =	por $0x0, $0x0;
	s6 =	simm.s32 $0x5;
	s30 =	simm.s32 $0x5420;
	v44 =	vmov s17;
	[tilespmem:v1+s5+$0x0] =	vst.idx.msk $0xffff, v60;
	v41 =	vshrl.u32 v63, $0x3;
	v43 =	vmov s31  }
0x218: {  	p2 =	por $0x0, $0x0;
	s15 =	simm.s32 $0x6;
	s17 =	simm.s32 $0x7;
	v55 =	vmovc v42;
	v57 =	vmovc v45;
	v56 =	vmov v44;
	v58 =	vmov v43;
	v46 =	vmov v41;
	[tilespmem:v2+s5+$0x0] =	vst.idx.msk $0xffff, v3  }
0x219: {  	v1 =	vmov s24;
	v2 =	vmov s28;
	v3 =	vmov s26  }
0x21a: {  	v46 =	vshrl.u32 v42, $0x3;
	v47 =	vshrl.u32 v44, $0x3;
	v2 =	vshrl.u32 v2, $0x3  }
0x21b: {  	v48 =	vshrl.u32 v45, $0x3;
	v49 =	vshrl.u32 v43, $0x3;
	v2 =	vshll.u32 v2, v9  }
0x21c: {  	v46 =	vshll.u32 v46, v9;
	v1 =	vshrl.u32 v1, $0x3;
	v2 =	vbroadcast v2, $0x0  }
0x21d: {  	v47 =	vshll.u32 v47, v9;
	v48 =	vshll.u32 v48, v9;
	v46 =	vbroadcast v46, $0x0  }
0x21e: {  	v50 =	vld [tilespmem:s29+$0xC0];
	v49 =	vshll.u32 v49, v9;
	v47 =	vbroadcast v47, $0x0;
	v2 =	vadd.s32 v32, v2  }
0x21f: {  	v51 =	vld [tilespmem:s29+$0xFFFFFF40];
	v3 =	vshrl.u32 v3, $0x3;
	v48 =	vbroadcast v48, $0x0;
	v46 =	vadd.s32 v26, v46  }
0x220: {  	v53 =	vld [tilespmem:s29+$0xFFFFFF80];
	v49 =	vbroadcast v49, $0x0;
	v1 =	vshll.u32 v1, v9;
	v54 =	vadd.s32 v27, v47  }
0x221: {  	v59 =	vld [tilespmem:s29+$0xFFFFFFC0];
	p3 =	por $0x1, $0x1;
	v3 =	vshll.u32 v3, v9;
	v1 =	vbroadcast v1, $0x0;
	v60 =	vadd.s32 v28, v48  }
.Ltmp20:
0x222: {  	v52 =	vshll.u32 v41, v9;
	v3 =	vbroadcast v3, $0x0;
	v47 =	vld [tilespmem:s29+$0x0];
	v48 =	vadd.s32 v29, v49;
	(pc) =	sbr.rel @!p3 .LBB2_29-.Ltmp20, $4  }
0x223: {  	s0 =	simm.s32 $0x9;
	v57 =	vbroadcast v52, $0x0;
	v49 =	vld [tilespmem:s29+$0x40];
	[tilespmem:v2+s5+$0x0] =	vst.idx.msk $0xffff, v50;
	v50 =	vadd.s32 v30, v1  }
0x224: {  	s15 =	simm.s32 $0xA;
	s18 =	simm.s32 $0xB;
	s30 =	simm.s32 $0xC;
	v52 =	vld [tilespmem:s29+$0x80];
	v55 =	vmov s0;
	[tilespmem:v46+s5+$0x0] =	vst.idx.msk $0xffff, v51;
	v51 =	vadd.s32 v31, v3  }
0x225: {  	s6 =	simm.s32 $0xD;
	s17 =	simm.s32 $0xF;
	p2 =	por $0x1, $0x1;
	v56 =	vmov s15;
	[tilespmem:v54+s5+$0x0] =	vst.idx.msk $0xffff, v53;
	v53 =	vld [tilespmem:s29+$0xFFFFFF00];
	v54 =	vadd.s32 v25, v57;
	v1 =	vmov s25  }
0x226: {  	s15 =	simm.s32 $0xE;
	v58 =	vmov s30;
	s0 =	simm.s32 $0x10;
	s30 =	simm.s32 $0x5420;
	v57 =	vmov s18;
	[tilespmem:v60+s5+$0x0] =	vst.idx.msk $0xffff, v59;
	v46 =	vshrl.u32 v1, $0x3  }
.LBB2_30:
0x227: {  	p3 =	slt.u32 s0, $0x78;
	v1 =	vmov s6;
	v2 =	vmov s15;
	v3 =	vmov s17;
	[tilespmem:v48+s5+$0x0] =	vst.idx.msk $0xffff, v47  }
0x228: {  	v47 =	vshrl.u32 v55, $0x3;
	v48 =	vshrl.u32 v56, $0x3;
	v3 =	vshrl.u32 v3, $0x3;
	[tilespmem:v50+s5+$0x0] =	vst.idx.msk $0xffff, v49  }
0x229: {  	v49 =	vshrl.u32 v57, $0x3;
	v50 =	vshrl.u32 v58, $0x3;
	v3 =	vshll.u32 v3, v9;
	[tilespmem:v51+s5+$0x0] =	vst.idx.msk $0xffff, v52  }
0x22a: {  	v47 =	vshll.u32 v47, v9;
	v1 =	vshrl.u32 v1, $0x3;
	v3 =	vbroadcast v3, $0x0;
	[tilespmem:v54+s5+$0x0] =	vst.idx.msk $0xffff, v53  }
0x22b: {  	s30 =	sadd.s32 $0x200, s30;
	v48 =	vshll.u32 v48, v9;
	v2 =	vshrl.u32 v2, $0x3;
	v47 =	vbroadcast v47, $0x0  }
0x22c: {  	v48 =	vbroadcast v48, $0x0;
	v49 =	vshll.u32 v49, v9;
	v51 =	vld [tilespmem:s30+$0xC0];
	v3 =	vadd.s32 v32, v3  }
0x22d: {  	v53 =	vadd.s32 v26, v47;
	v47 =	vbroadcast v49, $0x0;
	v49 =	vshll.u32 v50, v9;
	v52 =	vld [tilespmem:s30+$0xFFFFFF40]  }
0x22e: {  	v1 =	vshll.u32 v1, v9;
	v57 =	vadd.s32 v27, v48;
	v48 =	vbroadcast v49, $0x0;
	v56 =	vld [tilespmem:s30+$0xFFFFFF80]  }
0x22f: {  	v2 =	vshll.u32 v2, v9;
	v1 =	vbroadcast v1, $0x0;
	v60 =	vadd.s32 v28, v47;
	v59 =	vld [tilespmem:s30+$0xFFFFFFC0]  }
.Ltmp21:
0x230: {  	v46 =	vshll.u32 v46, v9;
	v2 =	vbroadcast v2, $0x0;
	v48 =	vadd.s32 v29, v48;
	v47 =	vld [tilespmem:s30+$0x0];
	(pc) =	sbr.rel @p3 .LBB2_30-.Ltmp21, $4  }
0x231: {  	v54 =	vbroadcast v46, $0x0;
	v50 =	vadd.s32 v30, v1;
	v49 =	vld [tilespmem:s30+$0x40];
	[tilespmem:v3+s5+$0x0] =	vst.idx.msk $0xffff, v51  }
0x232: {  	s6 =	sadd.s32 $0x1, s0;
	s15 =	sadd.s32 $0x2, s0;
	v1 =	vmov s0;
	v51 =	vadd.s32 v31, v2;
	[tilespmem:v53+s5+$0x0] =	vst.idx.msk $0xffff, v52;
	v52 =	vld [tilespmem:s30+$0x80]  }
0x233: {  	s17 =	sadd.s32 $0x3, s0;
	s18 =	sadd.s32 $0x4, s0;
	v55 =	vmov s6;
	s6 =	sadd.s32 $0x5, s0;
	v54 =	vadd.s32 v25, v54;
	v46 =	vshrl.u32 v1, $0x3;
	v53 =	vld [tilespmem:s30+$0xFFFFFF00];
	[tilespmem:v57+s5+$0x0] =	vst.idx.msk $0xffff, v56  }
0x234: {  	v58 =	vmov s18;
	v56 =	vmov s15;
	v57 =	vmov s17;
	s15 =	sadd.s32 $0x6, s0;
	s17 =	sadd.s32 $0x7, s0;
	s0 =	sadd.s32 $0x8, s0;
	[tilespmem:v60+s5+$0x0] =	vst.idx.msk $0xffff, v59  }
.LBB2_31:
0x235: {  	v1 =	vmov s6;
	v2 =	vmov s15;
	v3 =	vmov s17  }
0x236: {  	v55 =	vshrl.u32 v55, $0x3;
	v56 =	vshrl.u32 v56, $0x3;
	v57 =	vshrl.u32 v57, $0x3  }
0x237: {  	v58 =	vshrl.u32 v58, $0x3;
	v46 =	vshll.u32 v46, v9;
	v55 =	vshll.u32 v55, v9  }
0x238: {  	s0 =	sadd.s32 @p2 $0x200, s30;
	v3 =	vshrl.u32 v3, $0x3;
	v56 =	vshll.u32 v56, v9;
	v55 =	vbroadcast v55, $0x0  }
0x239: {  	v1 =	vshrl.u32 v1, $0x3;
	s29 =	smov.u32 @p2 s0;
	v3 =	vshll.u32 v3, v9;
	v56 =	vbroadcast v56, $0x0  }
0x23a: {  	[tilespmem:v48+s5+$0x0] =	vst.idx.msk @p2 $0xffff, v47;
	v57 =	vshll.u32 v57, v9;
	v47 =	vld [tilespmem:s29+$0xFFFFFF40];
	v3 =	vbroadcast v3, $0x0;
	v48 =	vadd.s32 v26, v55  }
0x23b: {  	v62 =	vshll.u32 v58, v9;
	[tilespmem:v50+s5+$0x0] =	vst.idx.msk @p2 $0xffff, v49;
	v61 =	vbroadcast v57, $0x0;
	v49 =	vld [tilespmem:s29+$0xFFFFFF80];
	v50 =	vadd.s32 v27, v56  }
0x23c: {  	v2 =	vshrl.u32 v2, $0x3;
	v59 =	vld [tilespmem:s29+$0xC0];
	v63 =	vbroadcast v62, $0x0;
	v3 =	vadd.s32 v32, v3  }
0x23d: {  	v46 =	vbroadcast v46, $0x0;
	v1 =	vshll.u32 v1, v9;
	[tilespmem:v51+s5+$0x0] =	vst.idx.msk @p2 $0xffff, v52;
	v57 =	vld [tilespmem:s29+$0xFFFFFFC0];
	v58 =	vadd.s32 v28, v61  }
0x23e: {  	v2 =	vshll.u32 v2, v9;
	v60 =	vld [tilespmem:s29+$0x0];
	v1 =	vbroadcast v1, $0x0;
	[tilespmem:v54+s5+$0x0] =	vst.idx.msk @p2 $0xffff, v53;
	v61 =	vadd.s32 v29, v63  }
0x23f: {  	v2 =	vbroadcast v2, $0x0;
	v46 =	vadd.s32 v25, v46;
	v63 =	vld [tilespmem:s29+$0xFFFFFF00];
	[tilespmem:v48+s5+$0x0] =	vst.idx.msk $0xffff, v47  }
0x240: {  	v62 =	vld [tilespmem:s29+$0x40];
	v1 =	vadd.s32 v30, v1;
	[tilespmem:v50+s5+$0x0] =	vst.idx.msk $0xffff, v49  }
0x241: {  	v2 =	vadd.s32 v31, v2;
	[tilespmem:v3+s5+$0x0] =	vst.idx.msk $0xffff, v59;
	v3 =	vld [tilespmem:s29+$0x80]  }
.Ltmp22:
0x242: {  	[tilespmem:v58+s5+$0x0] =	vst.idx.msk $0xffff, v57;
	(pc) =	sbr.rel @!p1 .LBB2_32-.Ltmp22, $4  }
0x243: {  	[tilespmem:v61+s5+$0x0] =	vst.idx.msk $0xffff, v60  }
0x244: {  	[tilespmem:v46+s5+$0x0] =	vst.idx.msk $0xffff, v63  }
0x245: {  	[tilespmem:v1+s5+$0x0] =	vst.idx.msk $0xffff, v62  }
0x246: {  	s29 =	simm.s32 $0x5430;
	[tilespmem:v2+s5+$0x0] =	vst.idx.msk $0xffff, v3  }
0x247: {  	v1 =	vmov s24;
	v2 =	vmov s28;
	v3 =	vmov s26  }
0x248: {  	v42 =	vshrl.u32 v42, $0x3;
	v44 =	vshrl.u32 v44, $0x3;
	v2 =	vshrl.u32 v2, $0x3  }
0x249: {  	v45 =	vshrl.u32 v45, $0x3;
	v43 =	vshrl.u32 v43, $0x3;
	v2 =	vshll.u32 v2, v9  }
0x24a: {  	v42 =	vshll.u32 v42, v9;
	v1 =	vshrl.u32 v1, $0x3;
	v2 =	vbroadcast v2, $0x0  }
0x24b: {  	v44 =	vshll.u32 v44, v9;
	v45 =	vshll.u32 v45, v9;
	v42 =	vbroadcast v42, $0x0  }
0x24c: {  	v47 =	vld [tilespmem:s29+$0xC0];
	v43 =	vshll.u32 v43, v9;
	v44 =	vbroadcast v44, $0x0;
	v2 =	vadd.s32 v40, v2  }
0x24d: {  	v50 =	vld [tilespmem:s29+$0xFFFFFF40];
	v3 =	vshrl.u32 v3, $0x3;
	v45 =	vbroadcast v45, $0x0;
	v42 =	vadd.s32 v34, v42  }
0x24e: {  	v52 =	vld [tilespmem:s29+$0xFFFFFF80];
	v43 =	vbroadcast v43, $0x0;
	v1 =	vshll.u32 v1, v9;
	v44 =	vadd.s32 v35, v44  }
0x24f: {  	v54 =	vld [tilespmem:s29+$0xFFFFFFC0];
	p1 =	por $0x1, $0x1;
	v3 =	vshll.u32 v3, v9;
	v1 =	vbroadcast v1, $0x0;
	v55 =	vadd.s32 v36, v45  }
.Ltmp23:
0x250: {  	v41 =	vshll.u32 v41, v9;
	v46 =	vld [tilespmem:s29+$0x0];
	v3 =	vbroadcast v3, $0x0;
	v48 =	vadd.s32 v37, v43;
	(pc) =	sbr.rel @!p1 .LBB2_34-.Ltmp23, $4  }
0x251: {  	s15 =	simm.s32 $0xB;
	v63 =	vbroadcast v41, $0x0;
	v49 =	vadd.s32 v38, v1;
	[tilespmem:v2+s5+$0x0] =	vst.idx.msk $0xffff, v47;
	v47 =	vld [tilespmem:s29+$0x40]  }
0x252: {  	s0 =	simm.s32 $0x9;
	s6 =	simm.s32 $0xA;
	s17 =	simm.s32 $0xC;
	v51 =	vld [tilespmem:s29+$0x80];
	v45 =	vmov s15;
	[tilespmem:v42+s5+$0x0] =	vst.idx.msk $0xffff, v50;
	v50 =	vadd.s32 v39, v3  }
0x253: {  	s24 =	simm.s32 $0xD;
	s26 =	simm.s32 $0xE;
	s28 =	simm.s32 $0xF;
	v53 =	vadd.s32 v33, v63;
	v43 =	vmov s17;
	v1 =	vmov s25;
	[tilespmem:v44+s5+$0x0] =	vst.idx.msk $0xffff, v52;
	v52 =	vld [tilespmem:s29+$0xFFFFFF00]  }
0x254: {  	p0 =	por $0x1, $0x1;
	s25 =	simm.s32 $0x5430;
	v41 =	vshrl.u32 v1, $0x3;
	v42 =	vmov s0;
	v44 =	vmov s6;
	s0 =	simm.s32 $0x10;
	[tilespmem:v55+s5+$0x0] =	vst.idx.msk $0xffff, v54  }
.LBB2_35:
0x255: {  	p1 =	slt.u32 s0, $0x78;
	v1 =	vmov s24;
	v2 =	vmov s26;
	v3 =	vmov s28;
	[tilespmem:v48+s5+$0x0] =	vst.idx.msk $0xffff, v46  }
0x256: {  	v42 =	vshrl.u32 v42, $0x3;
	v44 =	vshrl.u32 v44, $0x3;
	v3 =	vshrl.u32 v3, $0x3;
	[tilespmem:v49+s5+$0x0] =	vst.idx.msk $0xffff, v47  }
0x257: {  	v45 =	vshrl.u32 v45, $0x3;
	v43 =	vshrl.u32 v43, $0x3;
	v3 =	vshll.u32 v3, v9;
	[tilespmem:v50+s5+$0x0] =	vst.idx.msk $0xffff, v51  }
0x258: {  	v42 =	vshll.u32 v42, v9;
	v1 =	vshrl.u32 v1, $0x3;
	v3 =	vbroadcast v3, $0x0;
	[tilespmem:v53+s5+$0x0] =	vst.idx.msk $0xffff, v52  }
0x259: {  	s25 =	sadd.s32 $0x200, s25;
	v44 =	vshll.u32 v44, v9;
	v2 =	vshrl.u32 v2, $0x3;
	v42 =	vbroadcast v42, $0x0  }
0x25a: {  	v45 =	vshll.u32 v45, v9;
	v44 =	vbroadcast v44, $0x0;
	v50 =	vld [tilespmem:s25+$0xC0];
	v3 =	vadd.s32 v40, v3  }
0x25b: {  	v43 =	vshll.u32 v43, v9;
	v45 =	vbroadcast v45, $0x0;
	v42 =	vadd.s32 v34, v42;
	v51 =	vld [tilespmem:s25+$0xFFFFFF40]  }
0x25c: {  	v43 =	vbroadcast v43, $0x0;
	v1 =	vshll.u32 v1, v9;
	v44 =	vadd.s32 v35, v44;
	v54 =	vld [tilespmem:s25+$0xFFFFFF80]  }
0x25d: {  	v2 =	vshll.u32 v2, v9;
	v1 =	vbroadcast v1, $0x0;
	v56 =	vadd.s32 v36, v45;
	v55 =	vld [tilespmem:s25+$0xFFFFFFC0]  }
.Ltmp24:
0x25e: {  	v41 =	vshll.u32 v41, v9;
	v2 =	vbroadcast v2, $0x0;
	v48 =	vadd.s32 v37, v43;
	v46 =	vld [tilespmem:s25+$0x0];
	(pc) =	sbr.rel @p1 .LBB2_35-.Ltmp24, $4  }
0x25f: {  	v43 =	vbroadcast v41, $0x0;
	v49 =	vadd.s32 v38, v1;
	v47 =	vld [tilespmem:s25+$0x40];
	[tilespmem:v3+s5+$0x0] =	vst.idx.msk $0xffff, v50  }
0x260: {  	s6 =	sadd.s32 $0x1, s0;
	s15 =	sadd.s32 $0x2, s0;
	v1 =	vmov s0;
	v50 =	vadd.s32 v39, v2;
	[tilespmem:v42+s5+$0x0] =	vst.idx.msk $0xffff, v51;
	v51 =	vld [tilespmem:s25+$0x80]  }
0x261: {  	s17 =	sadd.s32 $0x4, s0;
	s24 =	sadd.s32 $0x5, s0;
	v41 =	vshrl.u32 v1, $0x3;
	v53 =	vadd.s32 v33, v43;
	v42 =	vmov s6;
	s6 =	sadd.s32 $0x3, s0;
	v52 =	vld [tilespmem:s25+$0xFFFFFF00];
	[tilespmem:v44+s5+$0x0] =	vst.idx.msk $0xffff, v54  }
0x262: {  	s26 =	sadd.s32 $0x6, s0;
	s28 =	sadd.s32 $0x7, s0;
	v43 =	vmov s17;
	s0 =	sadd.s32 $0x8, s0;
	v44 =	vmov s15;
	v45 =	vmov s6;
	[tilespmem:v56+s5+$0x0] =	vst.idx.msk $0xffff, v55  }
.LBB2_36:
0x263: {  	v1 =	vmov s24;
	v2 =	vmov s26;
	v3 =	vmov s28  }
0x264: {  	v42 =	vshrl.u32 v42, $0x3;
	v44 =	vshrl.u32 v44, $0x3;
	v45 =	vshrl.u32 v45, $0x3  }
0x265: {  	v43 =	vshrl.u32 v43, $0x3;
	v41 =	vshll.u32 v41, v9;
	v3 =	vshrl.u32 v3, $0x3  }
0x266: {  	s0 =	sadd.s32 @p0 $0x200, s25;
	v42 =	vshll.u32 v42, v9;
	v1 =	vshrl.u32 v1, $0x3;
	v41 =	vbroadcast v41, $0x0  }
0x267: {  	v44 =	vshll.u32 v44, v9;
	s29 =	smov.u32 @p0 s0;
	v3 =	vshll.u32 v3, v9;
	v42 =	vbroadcast v42, $0x0  }
0x268: {  	v2 =	vshrl.u32 v2, $0x3;
	v63 =	vld [tilespmem:s29+$0xFFFFFF00];
	v3 =	vbroadcast v3, $0x0;
	v41 =	vadd.s32 v33, v41  }
0x269: {  	[tilespmem:v48+s5+$0x0] =	vst.idx.msk @p0 $0xffff, v46;
	v45 =	vshll.u32 v45, v9;
	v44 =	vbroadcast v44, $0x0;
	v58 =	vld [tilespmem:s29+$0xFFFFFF40];
	v42 =	vadd.s32 v34, v42  }
0x26a: {  	v43 =	vshll.u32 v43, v9;
	[tilespmem:v49+s5+$0x0] =	vst.idx.msk @p0 $0xffff, v47;
	v54 =	vld [tilespmem:s29+$0xC0];
	v45 =	vbroadcast v45, $0x0;
	v3 =	vadd.s32 v40, v3  }
0x26b: {  	v59 =	vld [tilespmem:s29+$0xFFFFFF80];
	v43 =	vbroadcast v43, $0x0;
	v1 =	vshll.u32 v1, v9;
	[tilespmem:v50+s5+$0x0] =	vst.idx.msk @p0 $0xffff, v51;
	v44 =	vadd.s32 v35, v44  }
0x26c: {  	v60 =	vld [tilespmem:s29+$0xFFFFFFC0];
	v2 =	vshll.u32 v2, v9;
	v1 =	vbroadcast v1, $0x0;
	[tilespmem:v53+s5+$0x0] =	vst.idx.msk @p0 $0xffff, v52;
	v45 =	vadd.s32 v36, v45  }
0x26d: {  	v61 =	vld [tilespmem:s29+$0x0];
	v2 =	vbroadcast v2, $0x0;
	v43 =	vadd.s32 v37, v43;
	[tilespmem:v41+s5+$0x0] =	vst.idx.msk $0xffff, v63  }
0x26e: {  	v62 =	vld [tilespmem:s29+$0x40];
	v1 =	vadd.s32 v38, v1;
	[tilespmem:v42+s5+$0x0] =	vst.idx.msk $0xffff, v58  }
0x26f: {  	v2 =	vadd.s32 v39, v2;
	[tilespmem:v3+s5+$0x0] =	vst.idx.msk $0xffff, v54;
	v3 =	vld [tilespmem:s29+$0x80]  }
0x270: {  	[tilespmem:v44+s5+$0x0] =	vst.idx.msk $0xffff, v59  }
0x271: {  	[tilespmem:v45+s5+$0x0] =	vst.idx.msk $0xffff, v60  }
0x272: {  	[tilespmem:v43+s5+$0x0] =	vst.idx.msk $0xffff, v61;
	s29 =	sshll.u32 s23, $0x11  }
0x273: {  	[tilespmem:v1+s5+$0x0] =	vst.idx.msk $0xffff, v62;
	s23 =	sadd.s32 s19, s29  }
0x274: {  	s0 =	sadd.s32 s1, s23;
	[tilespmem:v2+s5+$0x0] =	vst.idx.msk $0xffff, v3  }
0x275: {  	[hbm4b:s0+s2] =	stream.linear.scatter [tilespmem:s5], [sflag:$0x4], $0x80, $0x38;
	[tilespmem:$0xB700] =	vst v63  }
0x276: {  	s15 =	simm.s32 $0x9588;
	s6 =	sadd.s32 $0x10, s0  }
0x277: {  	[hbm4b:s6+s2] =	stream.linear.scatter [tilespmem:s15], [sflag:$0x4], $0x80, $0x38;
	[tilespmem:$0xB700] =	vst v63  }
0x278: {  	s31 =	simm.s32 $0x9610;
	s30 =	sadd.s32 $0x20, s0  }
0x279: {  	[hbm4b:s30+s2] =	stream.linear.scatter [tilespmem:s31], [sflag:$0x4], $0x80, $0x38;
	[tilespmem:$0xB700] =	vst v63  }
0x27a: {  	s18 =	simm.s32 $0x9698;
	s17 =	sadd.s32 $0x30, s0  }
0x27b: {  	[hbm4b:s17+s2] =	stream.linear.scatter [tilespmem:s18], [sflag:$0x4], $0x80, $0x38;
	[tilespmem:$0xB700] =	vst v63  }
0x27c: {  	s25 =	simm.s32 $0x9720;
	s24 =	sadd.s32 $0x40, s0  }
0x27d: {  	[hbm4b:s24+s2] =	stream.linear.scatter [tilespmem:s25], [sflag:$0x4], $0x80, $0x38;
	[tilespmem:$0xB700] =	vst v63  }
0x27e: {  	s28 =	simm.s32 $0x97A8;
	s26 =	sadd.s32 $0x50, s0  }
0x27f: {  	[hbm4b:s26+s2] =	stream.linear.scatter [tilespmem:s28], [sflag:$0x4], $0x80, $0x38;
	[tilespmem:$0xB700] =	vst v63  }
0x280: {  	s29 =	sadd.s32 $0x60, s0;
	s30 =	simm.s32 $0x9830  }
0x281: {  	[hbm4b:s29+s2] =	stream.linear.scatter [tilespmem:s30], [sflag:$0x4], $0x80, $0x38;
	[tilespmem:$0xB700] =	vst v63  }
0x282: {  	s0 =	sadd.s32 $0x70, s0;
	s15 =	sand.u32 $0x1FFFBF80, s23;
	s31 =	simm.s32 $0x98B8  }
0x283: {  	[hbm4b:s0+s2] =	stream.linear.scatter [tilespmem:s31], [sflag:$0x4], $0x80, $0x38;
	[tilespmem:$0xB700] =	vst v63  }
0x284: {  	s17 =	simm.s32 $0x9940;
	s0 =	sadd.s32 s15, s7  }
0x285: {  	[hbm4b:s0+s2] =	stream.linear.scatter [tilespmem:s17], [sflag:$0x4], $0x80, $0x38;
	[tilespmem:$0xB700] =	vst v63  }
0x286: {  	s24 =	simm.s32 $0x99C8;
	s18 =	sadd.s32 $0x10, s0  }
0x287: {  	[hbm4b:s18+s2] =	stream.linear.scatter [tilespmem:s24], [sflag:$0x4], $0x80, $0x38;
	[tilespmem:$0xB700] =	vst v63  }
0x288: {  	s26 =	simm.s32 $0x9A50;
	s25 =	sadd.s32 $0x20, s0  }
0x289: {  	[hbm4b:s25+s2] =	stream.linear.scatter [tilespmem:s26], [sflag:$0x4], $0x80, $0x38;
	[tilespmem:$0xB700] =	vst v63  }
0x28a: {  	s29 =	simm.s32 $0x9AD8;
	s28 =	sadd.s32 $0x30, s0  }
0x28b: {  	[hbm4b:s28+s2] =	stream.linear.scatter [tilespmem:s29], [sflag:$0x4], $0x80, $0x38;
	[tilespmem:$0xB700] =	vst v63  }
0x28c: {  	s31 =	simm.s32 $0x9B60;
	s30 =	sadd.s32 $0x40, s0  }
0x28d: {  	[hbm4b:s30+s2] =	stream.linear.scatter [tilespmem:s31], [sflag:$0x4], $0x80, $0x38;
	[tilespmem:$0xB700] =	vst v63  }
0x28e: {  	s17 =	sadd.s32 $0x50, s0;
	s18 =	simm.s32 $0x9BE8  }
0x28f: {  	[hbm4b:s17+s2] =	stream.linear.scatter [tilespmem:s18], [sflag:$0x4], $0x80, $0x38;
	[tilespmem:$0xB700] =	vst v63  }
0x290: {  	s24 =	sadd.s32 $0x60, s0;
	s25 =	simm.s32 $0x9C70  }
0x291: {  	[hbm4b:s24+s2] =	stream.linear.scatter [tilespmem:s25], [sflag:$0x4], $0x80, $0x38;
	[tilespmem:$0xB700] =	vst v63  }
0x292: {  	s0 =	sadd.s32 $0x70, s0;
	s26 =	simm.s32 $0x9CF8;
	s28 =	sand.u32 $0x1FFF7F80, s23  }
0x293: {  	[hbm4b:s0+s2] =	stream.linear.scatter [tilespmem:s26], [sflag:$0x4], $0x80, $0x38;
	[tilespmem:$0xB700] =	vst v63  }
0x294: {  	s29 =	simm.s32 $0x9D80;
	s0 =	sadd.s32 s28, s8  }
0x295: {  	[hbm4b:s0+s2] =	stream.linear.scatter [tilespmem:s29], [sflag:$0x4], $0x80, $0x38;
	[tilespmem:$0xB700] =	vst v63  }
0x296: {  	s31 =	simm.s32 $0x9E08;
	s30 =	sadd.s32 $0x10, s0  }
0x297: {  	[hbm4b:s30+s2] =	stream.linear.scatter [tilespmem:s31], [sflag:$0x4], $0x80, $0x38;
	[tilespmem:$0xB700] =	vst v63  }
0x298: {  	s17 =	simm.s32 $0x9E90;
	s15 =	sadd.s32 $0x20, s0  }
0x299: {  	[hbm4b:s15+s2] =	stream.linear.scatter [tilespmem:s17], [sflag:$0x4], $0x80, $0x38;
	[tilespmem:$0xB700] =	vst v63  }
0x29a: {  	s24 =	simm.s32 $0x9F18;
	s18 =	sadd.s32 $0x30, s0  }
0x29b: {  	[hbm4b:s18+s2] =	stream.linear.scatter [tilespmem:s24], [sflag:$0x4], $0x80, $0x38;
	[tilespmem:$0xB700] =	vst v63  }
0x29c: {  	s26 =	simm.s32 $0x9FA0;
	s25 =	sadd.s32 $0x40, s0  }
0x29d: {  	[hbm4b:s25+s2] =	stream.linear.scatter [tilespmem:s26], [sflag:$0x4], $0x80, $0x38;
	[tilespmem:$0xB700] =	vst v63  }
0x29e: {  	s28 =	sadd.s32 $0x50, s0;
	s29 =	simm.s32 $0xA028  }
0x29f: {  	[hbm4b:s28+s2] =	stream.linear.scatter [tilespmem:s29], [sflag:$0x4], $0x80, $0x38;
	[tilespmem:$0xB700] =	vst v63  }
0x2a0: {  	s30 =	sadd.s32 $0x60, s0;
	s31 =	simm.s32 $0xA0B0  }
0x2a1: {  	[hbm4b:s30+s2] =	stream.linear.scatter [tilespmem:s31], [sflag:$0x4], $0x80, $0x38;
	[tilespmem:$0xB700] =	vst v63  }
0x2a2: {  	s0 =	sadd.s32 $0x70, s0;
	s17 =	simm.s32 $0xA138;
	s18 =	sand.u32 $0x1FFF3F80, s23  }
0x2a3: {  	[hbm4b:s0+s2] =	stream.linear.scatter [tilespmem:s17], [sflag:$0x4], $0x80, $0x38;
	[tilespmem:$0xB700] =	vst v63  }
0x2a4: {  	s24 =	simm.s32 $0xA1C0;
	s0 =	sadd.s32 s18, s9  }
0x2a5: {  	[hbm4b:s0+s2] =	stream.linear.scatter [tilespmem:s24], [sflag:$0x4], $0x80, $0x38;
	[tilespmem:$0xB700] =	vst v63  }
0x2a6: {  	s26 =	simm.s32 $0xA248;
	s25 =	sadd.s32 $0x10, s0  }
0x2a7: {  	[hbm4b:s25+s2] =	stream.linear.scatter [tilespmem:s26], [sflag:$0x4], $0x80, $0x38;
	[tilespmem:$0xB700] =	vst v63  }
0x2a8: {  	s29 =	simm.s32 $0xA2D0;
	s28 =	sadd.s32 $0x20, s0  }
0x2a9: {  	[hbm4b:s28+s2] =	stream.linear.scatter [tilespmem:s29], [sflag:$0x4], $0x80, $0x38;
	[tilespmem:$0xB700] =	vst v63  }
0x2aa: {  	s31 =	simm.s32 $0xA358;
	s30 =	sadd.s32 $0x30, s0  }
0x2ab: {  	[hbm4b:s30+s2] =	stream.linear.scatter [tilespmem:s31], [sflag:$0x4], $0x80, $0x38;
	[tilespmem:$0xB700] =	vst v63  }
0x2ac: {  	s18 =	simm.s32 $0xA3E0;
	s17 =	sadd.s32 $0x40, s0  }
0x2ad: {  	[hbm4b:s17+s2] =	stream.linear.scatter [tilespmem:s18], [sflag:$0x4], $0x80, $0x38;
	[tilespmem:$0xB700] =	vst v63  }
0x2ae: {  	s24 =	sadd.s32 $0x50, s0;
	s25 =	simm.s32 $0xA468  }
0x2af: {  	[hbm4b:s24+s2] =	stream.linear.scatter [tilespmem:s25], [sflag:$0x4], $0x80, $0x38;
	[tilespmem:$0xB700] =	vst v63  }
0x2b0: {  	s26 =	sadd.s32 $0x60, s0;
	s28 =	simm.s32 $0xA4F0  }
0x2b1: {  	[hbm4b:s26+s2] =	stream.linear.scatter [tilespmem:s28], [sflag:$0x4], $0x80, $0x38;
	[tilespmem:$0xB700] =	vst v63  }
0x2b2: {  	s0 =	sadd.s32 $0x70, s0;
	s29 =	simm.s32 $0xA578;
	s30 =	sand.u32 $0x1FFEFF80, s23  }
0x2b3: {  	[hbm4b:s0+s2] =	stream.linear.scatter [tilespmem:s29], [sflag:$0x4], $0x80, $0x38;
	[tilespmem:$0xB700] =	vst v63  }
0x2b4: {  	s31 =	simm.s32 $0xA600;
	s0 =	sadd.s32 s30, s10  }
0x2b5: {  	[hbm4b:s0+s2] =	stream.linear.scatter [tilespmem:s31], [sflag:$0x4], $0x80, $0x38;
	[tilespmem:$0xB700] =	vst v63  }
0x2b6: {  	s17 =	simm.s32 $0xA688;
	s15 =	sadd.s32 $0x10, s0  }
0x2b7: {  	[hbm4b:s15+s2] =	stream.linear.scatter [tilespmem:s17], [sflag:$0x4], $0x80, $0x38;
	[tilespmem:$0xB700] =	vst v63  }
0x2b8: {  	s24 =	simm.s32 $0xA710;
	s18 =	sadd.s32 $0x20, s0  }
0x2b9: {  	[hbm4b:s18+s2] =	stream.linear.scatter [tilespmem:s24], [sflag:$0x4], $0x80, $0x38;
	[tilespmem:$0xB700] =	vst v63  }
0x2ba: {  	s26 =	simm.s32 $0xA798;
	s25 =	sadd.s32 $0x30, s0  }
0x2bb: {  	[hbm4b:s25+s2] =	stream.linear.scatter [tilespmem:s26], [sflag:$0x4], $0x80, $0x38;
	[tilespmem:$0xB700] =	vst v63  }
0x2bc: {  	s29 =	simm.s32 $0xA820;
	s28 =	sadd.s32 $0x40, s0  }
0x2bd: {  	[hbm4b:s28+s2] =	stream.linear.scatter [tilespmem:s29], [sflag:$0x4], $0x80, $0x38;
	[tilespmem:$0xB700] =	vst v63  }
0x2be: {  	s30 =	sadd.s32 $0x50, s0;
	s31 =	simm.s32 $0xA8A8  }
0x2bf: {  	[hbm4b:s30+s2] =	stream.linear.scatter [tilespmem:s31], [sflag:$0x4], $0x80, $0x38;
	[tilespmem:$0xB700] =	vst v63  }
0x2c0: {  	s17 =	sadd.s32 $0x60, s0;
	s18 =	simm.s32 $0xA930  }
0x2c1: {  	[hbm4b:s17+s2] =	stream.linear.scatter [tilespmem:s18], [sflag:$0x4], $0x80, $0x38;
	[tilespmem:$0xB700] =	vst v63  }
0x2c2: {  	s0 =	sadd.s32 $0x70, s0;
	s24 =	simm.s32 $0xA9B8;
	s25 =	sand.u32 $0x1FFEBF80, s23  }
0x2c3: {  	[hbm4b:s0+s2] =	stream.linear.scatter [tilespmem:s24], [sflag:$0x4], $0x80, $0x38;
	[tilespmem:$0xB700] =	vst v63  }
0x2c4: {  	s26 =	simm.s32 $0xAA40;
	s0 =	sadd.s32 s25, s11  }
0x2c5: {  	[hbm4b:s0+s2] =	stream.linear.scatter [tilespmem:s26], [sflag:$0x4], $0x80, $0x38;
	[tilespmem:$0xB700] =	vst v63  }
0x2c6: {  	s29 =	simm.s32 $0xAAC8;
	s28 =	sadd.s32 $0x10, s0  }
0x2c7: {  	[hbm4b:s28+s2] =	stream.linear.scatter [tilespmem:s29], [sflag:$0x4], $0x80, $0x38;
	[tilespmem:$0xB700] =	vst v63  }
0x2c8: {  	s31 =	simm.s32 $0xAB50;
	s30 =	sadd.s32 $0x20, s0  }
0x2c9: {  	[hbm4b:s30+s2] =	stream.linear.scatter [tilespmem:s31], [sflag:$0x4], $0x80, $0x38;
	[tilespmem:$0xB700] =	vst v63  }
0x2ca: {  	s18 =	simm.s32 $0xABD8;
	s17 =	sadd.s32 $0x30, s0  }
0x2cb: {  	[hbm4b:s17+s2] =	stream.linear.scatter [tilespmem:s18], [sflag:$0x4], $0x80, $0x38;
	[tilespmem:$0xB700] =	vst v63  }
0x2cc: {  	s25 =	simm.s32 $0xAC60;
	s24 =	sadd.s32 $0x40, s0  }
0x2cd: {  	[hbm4b:s24+s2] =	stream.linear.scatter [tilespmem:s25], [sflag:$0x4], $0x80, $0x38;
	[tilespmem:$0xB700] =	vst v63  }
0x2ce: {  	s26 =	sadd.s32 $0x50, s0;
	s28 =	simm.s32 $0xACE8  }
0x2cf: {  	[hbm4b:s26+s2] =	stream.linear.scatter [tilespmem:s28], [sflag:$0x4], $0x80, $0x38;
	[tilespmem:$0xB700] =	vst v63  }
0x2d0: {  	s29 =	sadd.s32 $0x60, s0;
	s30 =	simm.s32 $0xAD70  }
0x2d1: {  	[hbm4b:s29+s2] =	stream.linear.scatter [tilespmem:s30], [sflag:$0x4], $0x80, $0x38;
	[tilespmem:$0xB700] =	vst v63  }
0x2d2: {  	s15 =	sand.u32 $0x1FFE7F80, s23;
	s0 =	sadd.s32 $0x70, s0;
	s31 =	simm.s32 $0xADF8  }
0x2d3: {  	[hbm4b:s0+s2] =	stream.linear.scatter [tilespmem:s31], [sflag:$0x4], $0x80, $0x38;
	[tilespmem:$0xB700] =	vst v63  }
0x2d4: {  	s17 =	simm.s32 $0xAE80;
	s0 =	sadd.s32 s15, s12  }
0x2d5: {  	[hbm4b:s0+s2] =	stream.linear.scatter [tilespmem:s17], [sflag:$0x4], $0x80, $0x38;
	[tilespmem:$0xB700] =	vst v63  }
0x2d6: {  	s24 =	simm.s32 $0xAF08;
	s18 =	sadd.s32 $0x10, s0  }
0x2d7: {  	[hbm4b:s18+s2] =	stream.linear.scatter [tilespmem:s24], [sflag:$0x4], $0x80, $0x38;
	[tilespmem:$0xB700] =	vst v63  }
0x2d8: {  	s26 =	simm.s32 $0xAF90;
	s25 =	sadd.s32 $0x20, s0  }
0x2d9: {  	[hbm4b:s25+s2] =	stream.linear.scatter [tilespmem:s26], [sflag:$0x4], $0x80, $0x38;
	[tilespmem:$0xB700] =	vst v63  }
0x2da: {  	s29 =	simm.s32 $0xB018;
	s28 =	sadd.s32 $0x30, s0  }
0x2db: {  	[hbm4b:s28+s2] =	stream.linear.scatter [tilespmem:s29], [sflag:$0x4], $0x80, $0x38;
	[tilespmem:$0xB700] =	vst v63  }
0x2dc: {  	s31 =	simm.s32 $0xB0A0;
	s30 =	sadd.s32 $0x40, s0  }
0x2dd: {  	[hbm4b:s30+s2] =	stream.linear.scatter [tilespmem:s31], [sflag:$0x4], $0x80, $0x38;
	[tilespmem:$0xB700] =	vst v63  }
0x2de: {  	s17 =	sadd.s32 $0x50, s0;
	s18 =	simm.s32 $0xB128  }
0x2df: {  	[hbm4b:s17+s2] =	stream.linear.scatter [tilespmem:s18], [sflag:$0x4], $0x80, $0x38;
	[tilespmem:$0xB700] =	vst v63  }
0x2e0: {  	s24 =	sadd.s32 $0x60, s0;
	s25 =	simm.s32 $0xB1B0  }
0x2e1: {  	[hbm4b:s24+s2] =	stream.linear.scatter [tilespmem:s25], [sflag:$0x4], $0x80, $0x38;
	[tilespmem:$0xB700] =	vst v63  }
0x2e2: {  	s0 =	sadd.s32 $0x70, s0;
	s26 =	simm.s32 $0xB238;
	s28 =	sand.u32 $0x1FFE3F80, s23  }
0x2e3: {  	[hbm4b:s0+s2] =	stream.linear.scatter [tilespmem:s26], [sflag:$0x4], $0x80, $0x38;
	[tilespmem:$0xB700] =	vst v63  }
0x2e4: {  	s29 =	simm.s32 $0xB2C0;
	s0 =	sadd.s32 s28, s13  }
0x2e5: {  	[hbm4b:s0+s2] =	stream.linear.scatter [tilespmem:s29], [sflag:$0x4], $0x80, $0x38;
	[tilespmem:$0xB700] =	vst v63  }
0x2e6: {  	s31 =	simm.s32 $0xB348;
	s30 =	sadd.s32 $0x10, s0  }
0x2e7: {  	[hbm4b:s30+s2] =	stream.linear.scatter [tilespmem:s31], [sflag:$0x4], $0x80, $0x38;
	[tilespmem:$0xB700] =	vst v63  }
0x2e8: {  	s17 =	simm.s32 $0xB3D0;
	s15 =	sadd.s32 $0x20, s0  }
0x2e9: {  	[hbm4b:s15+s2] =	stream.linear.scatter [tilespmem:s17], [sflag:$0x4], $0x80, $0x38;
	[tilespmem:$0xB700] =	vst v63  }
0x2ea: {  	s23 =	simm.s32 $0xB458;
	s18 =	sadd.s32 $0x30, s0  }
0x2eb: {  	[hbm4b:s18+s2] =	stream.linear.scatter [tilespmem:s23], [sflag:$0x4], $0x80, $0x38;
	[tilespmem:$0xB700] =	vst v63  }
0x2ec: {  	s20 =	sadd.s32 $0x1, s20;
	s25 =	simm.s32 $0xB4E0;
	s24 =	sadd.s32 $0x40, s0  }
0x2ed: {  	[hbm4b:s24+s2] =	stream.linear.scatter [tilespmem:s25], [sflag:$0x4], $0x80, $0x38;
	[tilespmem:$0xB700] =	vst v63  }
0x2ee: {  	p0 =	sne.s32 s20, $0x32;
	s28 =	simm.s32 $0xB568;
	s26 =	sadd.s32 $0x50, s0  }
0x2ef: {  	[hbm4b:s26+s2] =	stream.linear.scatter [tilespmem:s28], [sflag:$0x4], $0x80, $0x38;
	[tilespmem:$0xB700] =	vst v63  }
.Ltmp25:
0x2f0: {  	_ = 	snop;
	(pc) =	sbr.rel @p0 .LBB2_3-.Ltmp25, $4  }
.Ltmp26:
0x2f1: {  	s29 =	sadd.s32 $0x60, s0;
	s30 =	simm.s32 $0xB5F0;
	(pc) =	sbr.rel @!p0 .LBB2_37-.Ltmp26, $4  }
0x2f2: {  	[hbm4b:s29+s2] =	stream.linear.scatter [tilespmem:s30], [sflag:$0x4], $0x80, $0x38;
	[tilespmem:$0xB700] =	vst v63  }
0x2f3: {  	s0 =	sadd.s32 $0x70, s0;
	s31 =	simm.s32 $0xB678  }
0x2f4: {  	[hbm4b:s0+s2] =	stream.linear.scatter [tilespmem:s31], [sflag:$0x4], $0x80, $0x38;
	[tilespmem:$0xB700] =	vst v63  }
0x2f5: {  	_ = 	snop  }
.LBB2_10:
.Ltmp27:
0x2f6: {  	(pc) =	sbr.rel .LBB2_14-.Ltmp27, $2  }
0x2f7: {  	_ =	sdelay $0x2  }
0x2f8: {  	s26 =	simm.s32 $0x3420  }
.LBB2_15:
.Ltmp28:
0x2f9: {  	(pc) =	sbr.rel .LBB2_19-.Ltmp28, $2  }
0x2fa: {  	_ =	sdelay $0x2  }
0x2fb: {  	s26 =	simm.s32 $0x3430  }
.LBB2_32:
.Ltmp29:
0x2fc: {  	(pc) =	sbr.rel .LBB2_36-.Ltmp29, $2  }
0x2fd: {  	_ =	sdelay $0x2  }
0x2fe: {  	s25 =	simm.s32 $0x5430  }
.LBB2_7:
.Ltmp30:
0x2ff: {  	(pc) =	sbr.rel .LBB2_9-.Ltmp30, $2  }
0x300: {  	_ =	sdelay $0x2  }
0x301: {  	s31 =	simm.s32 $0x3410  }
.LBB2_12:
.Ltmp31:
0x302: {  	(pc) =	sbr.rel .LBB2_14-.Ltmp31, $2  }
0x303: {  	_ =	sdelay $0x2  }
0x304: {  	s26 =	simm.s32 $0x3420  }
.LBB2_17:
.Ltmp32:
0x305: {  	(pc) =	sbr.rel .LBB2_19-.Ltmp32, $2  }
0x306: {  	_ =	sdelay $0x2  }
0x307: {  	s26 =	simm.s32 $0x3430  }
.LBB2_29:
.Ltmp33:
0x308: {  	(pc) =	sbr.rel .LBB2_31-.Ltmp33, $2  }
0x309: {  	_ =	sdelay $0x2  }
0x30a: {  	s30 =	simm.s32 $0x5420  }
.LBB2_34:
.Ltmp34:
0x30b: {  	(pc) =	sbr.rel .LBB2_36-.Ltmp34, $2  }
0x30c: {  	_ =	sdelay $0x2  }
0x30d: {  	s25 =	simm.s32 $0x5430  }
.LBB2_39:
0x30e: {  	_ =	sfence.sel $0x180000  }
0x30f: {  	[bflag:$0x0] =	sbarrier.arrive $0xFFFF  }
0x310: {  	_ =	strace $0x90000047  }
0x311: {  	s0 =	stileid.u32;
	[bflag:$0x2] =	sbarrier.arrive $0xFFFF  }
0x312: {  	p0 =	sne.s32 s0, $0x0;
	s0 =	rddreg [dreg:$0x2]  }
0x313: {  	s0 =	sadd.s32 @!p0 $0x100000, s0  }
0x314: {  	[sflag:s0] =	ssyncadd.tile.s32 @!p0 $0x1;
	_ =	shalt  }
.Lfunc_end2:
_tile_overlayer_lowered:
.L_overlay_start_2:
0x315: {  	(tag) =	ssettag $0x2  }
0x316: {  	s0 =	rddreg [dreg:$0x0];
	s2 =	stileid.u32  }
0x317: {  	s1 =	rddreg [dreg:$0x1];
	p0 =	sne.s32 s2, $0x0  }
0x318: {  	s3 =	rddreg [dreg:$0x2];
	[bflag:$0x3] =	sbarrier.arrive $0xFFFF;
	s2 =	simm.s32 @!p0 $0x1C05  }
0x319: {  	[timem:s3], [sflag:s2] =	dma.local @!p0 [hbm:s0], s1  }
0x31a: {  	s0 =	simm.s32 @!p0 $0x5  }
0x31b: {  	_ =	swait.ge @!p0 [sflag:s0], s1  }
0x31c: {  	s1 =	ssub.s32 @!p0 $0x0, s1;
	[sflag:s0] =	ssyncset.done @!p0 $0x0  }
0x31d: {  	[sflag:s0] =	ssyncadd.s32 @!p0 s1  }
0x31e: {  	[bflag:$0x3] =	sbarrier.arrive $0xFFFF  }
0x31f: {  	_ =	shalt  }

</sc_bundles>
